<compile_context>
chip_gen: v7x
topology: tpu7x:2x2x1
jax: 0.10.2.dev20260603
libtpu: 0.0.44.dev20260713+nightly
codegen_flags: <defaults>
</compile_context>

<pallas_src>
import functools

import jax
import jax.numpy as jnp
from jax import lax
from jax.experimental import pallas as pl
from jax.experimental.pallas import tpu as pltpu
from jax.experimental.pallas import tpu_sc as plsc

_NUM_HIDDENS = 128
_NUM_EMBEDDINGS = 8192
_EMBEDDING_DIM = 64
_COMMITMENT_COST = 0.25

_TB = 1024
_KB = 1024


def _cpad(x, p):
    return jnp.concatenate([x[:, :, -p:], x, x[:, :, :p]], axis=2)


def _conv1d(x, W, b=None, stride=1, pad=0, circular=False):
    if circular and pad > 0:
        x = _cpad(x, pad)
        padding = ((0, 0),)
    else:
        padding = ((pad, pad),)
    out = lax.conv_general_dilated(x, W, (stride,), padding,
                                   dimension_numbers=('NCH', 'OIH', 'NCH'))
    if b is not None:
        out = out + b[None, :, None]
    return out


def _conv_transpose1d(x, W, b, stride, pad):
    k = W.shape[-1]
    out = lax.conv_general_dilated(x, W[:, :, ::-1], (1,),
                                   ((k - 1 - pad, k - 1 - pad),),
                                   lhs_dilation=(stride,),
                                   dimension_numbers=('NCH', 'OIH', 'NCH'))
    return out + b[None, :, None]


def _residual_stack(x, ws):
    for (w1, w2) in ws:
        h = jax.nn.relu(x)
        h = _conv1d(h, w1, stride=1, pad=1, circular=True)
        h = jax.nn.relu(h)
        h = _conv1d(h, w2)
        x = x + h
    return jax.nn.relu(x)


def _vq_tc_kernel(flat_ref, et_ref, e2_ref, z2_ref, idx_ref, lat_ref,
                  min_ref, arg_ref):
    j = pl.program_id(1)
    nk = pl.num_programs(1)
    i = pl.program_id(0)

    flat = flat_ref[...]
    et = et_ref[...]
    m = lax.dot_general(flat, et, (((1,), (0,)), ((), ())),
                        preferred_element_type=jnp.float32,
                        precision=lax.Precision.DEFAULT)
    s = (z2_ref[...] + e2_ref[...]) - 2.0 * m

    m = jnp.min(s, axis=1, keepdims=True)
    col = lax.broadcasted_iota(jnp.int32, s.shape, 1)
    arg = jnp.min(jnp.where(s == m, col, _NUM_EMBEDDINGS), axis=1,
                  keepdims=True) + j * _KB

    @pl.when(j == 0)
    def _init():
        min_ref[...] = m
        arg_ref[...] = arg

    @pl.when(j > 0)
    def _update():
        better = m < min_ref[...]
        arg_ref[...] = jnp.where(better, arg, arg_ref[...])
        min_ref[...] = jnp.where(better, m, min_ref[...])

    @pl.when(j == nk - 1)
    def _finish():
        idx_ref[...] = arg_ref[...]
        part = jnp.sum(min_ref[...]).reshape(1, 1)

        @pl.when(i == 0)
        def _first():
            lat_ref[...] = part

        @pl.when(i > 0)
        def _rest():
            lat_ref[...] += part


def _vq_argmin(flat, et, e2, z2):
    n, d = flat.shape
    k = et.shape[1]
    grid = (n // _TB, k // _KB)
    return pl.pallas_call(
        _vq_tc_kernel,
        grid=grid,
        in_specs=[
            pl.BlockSpec((_TB, d), lambda i, j: (i, 0)),
            pl.BlockSpec((d, _KB), lambda i, j: (0, j)),
            pl.BlockSpec((1, _KB), lambda i, j: (0, j)),
            pl.BlockSpec((_TB, 1), lambda i, j: (i, 0)),
        ],
        out_specs=[
            pl.BlockSpec((_TB, 1), lambda i, j: (i, 0)),
            pl.BlockSpec((1, 1), lambda i, j: (0, 0)),
        ],
        out_shape=[
            jax.ShapeDtypeStruct((n, 1), jnp.int32),
            jax.ShapeDtypeStruct((1, 1), jnp.float32),
        ],
        scratch_shapes=[
            pltpu.VMEM((_TB, 1), jnp.float32),
            pltpu.VMEM((_TB, 1), jnp.int32),
        ],
    )(flat, et, e2, z2)


_CH = 128


def _sc_gather_counts(codebook, idx, zeros_k, ones_ch):
    K, D = codebook.shape
    N = idx.shape[0]
    info = plsc.get_sparse_core_info()
    NC, NS = info.num_cores, info.num_subcores
    NW = NC * NS
    per_w = N // NW
    n_ch = per_w // _CH
    mesh = plsc.VectorSubcoreMesh(core_axis_name="c", subcore_axis_name="s")

    @functools.partial(
        pl.kernel, mesh=mesh,
        out_type=[jax.ShapeDtypeStruct((N, D), jnp.float32),
                  jax.ShapeDtypeStruct((NW, K), jnp.float32)],
        scratch_types=[
            pltpu.VMEM((_CH,), jnp.int32),
            pltpu.VMEM((_CH,), jnp.int32),
            pltpu.VMEM((_CH, D), jnp.float32),
            pltpu.VMEM((_CH,), jnp.float32),
            pltpu.VMEM_SHARED((NS * K,), jnp.float32),
            pltpu.SemaphoreType.DMA,
        ],
    )
    def k(table, idxh, zkh, o1h, qout, cout, idx_v, off_v, rows_v, ones_v,
          cnt_sh, sem):
        c = lax.axis_index("c")
        s = lax.axis_index("s")
        wid = s * NC + c

        pltpu.sync_copy(zkh, cnt_sh.at[pl.ds(s * K, K)])
        pltpu.sync_copy(o1h, ones_v)

        for g in range(n_ch):
            base = wid * per_w + g * _CH
            pltpu.sync_copy(idxh.at[pl.ds(base, _CH)], idx_v)
            pltpu.async_copy(table.at[idx_v], rows_v, sem).wait()
            pltpu.sync_copy(rows_v, qout.at[pl.ds(base, _CH)])
            for i in range(_CH // 16):
                off_v[pl.ds(i * 16, 16)] = idx_v[pl.ds(i * 16, 16)] + s * K
            pltpu.sync_copy(ones_v, cnt_sh.at[off_v], add=True)

        pltpu.sync_copy(cnt_sh.at[pl.ds(s * K, K)], cout.at[wid])

    return k(codebook, idx, zeros_k, ones_ch)


def kernel(x, params):
    p = params
    h = jax.nn.relu(_conv1d(x, p['enc_c1_w'], p['enc_c1_b'], stride=2, pad=1, circular=True))
    h = jax.nn.relu(_conv1d(h, p['enc_c2_w'], p['enc_c2_b'], stride=2, pad=1, circular=True))
    h = jax.nn.relu(_conv1d(h, p['enc_c3_w'], p['enc_c3_b'], stride=2, pad=1, circular=True))
    h = jax.nn.relu(_conv1d(h, p['enc_c4_w'], p['enc_c4_b'], stride=2, pad=1, circular=True))
    h = _conv1d(h, p['enc_cf_w'], p['enc_cf_b'], stride=1, pad=1, circular=True)
    h = _residual_stack(h, [(p['enc_r0_w1'], p['enc_r0_w2']), (p['enc_r1_w1'], p['enc_r1_w2'])])
    z = _conv1d(h, p['pre_vq_w'], p['pre_vq_b'])

    zp = jnp.transpose(z, (0, 2, 1))
    flat = zp.reshape(-1, _EMBEDDING_DIM)
    E = p['codebook']
    e2 = jnp.sum(E ** 2, axis=1)[None, :]
    z2 = jnp.sum(flat ** 2, axis=1, keepdims=True)

    idx2d, latent_sum = _vq_argmin(flat, E.T, e2, z2)
    idx = idx2d[:, 0]

    n = flat.shape[0]
    e_latent_loss = latent_sum[0, 0] / (n * _EMBEDDING_DIM)
    loss = _COMMITMENT_COST * e_latent_loss

    zeros_k = jnp.zeros((_NUM_EMBEDDINGS,), jnp.float32)
    ones_ch = jnp.ones((_CH,), jnp.float32)
    E_pad = jnp.concatenate([E, jnp.zeros_like(E)], axis=1)
    q_pad, counts2 = _sc_gather_counts(E_pad, idx, zeros_k, ones_ch)
    quantized = q_pad[:, :_EMBEDDING_DIM]
    counts = jnp.sum(counts2, axis=0)

    avg_probs = counts / n
    perplexity = jnp.exp(-jnp.sum(avg_probs * jnp.log(avg_probs + 1e-10)))

    qc = jnp.transpose(quantized.reshape(zp.shape), (0, 2, 1))
    d = _conv1d(qc, p['dec_init_w'], p['dec_init_b'], stride=1, pad=1, circular=False)
    d = _residual_stack(d, [(p['dec_r0_w1'], p['dec_r0_w2']), (p['dec_r1_w1'], p['dec_r1_w2'])])
    d = jax.nn.relu(_conv_transpose1d(d, p['dec_t0_w'], p['dec_t0_b'], 2, 1))
    d = jax.nn.relu(_conv_transpose1d(d, p['dec_t1_w'], p['dec_t1_b'], 2, 1))
    d = jax.nn.relu(_conv_transpose1d(d, p['dec_t2_w'], p['dec_t2_b'], 2, 1))
    x_recon = _conv_transpose1d(d, p['dec_t3_w'], p['dec_t3_b'], 2, 1)
    return (loss, x_recon, perplexity)

# --- scband reference (transcript-rebuilt; emitter-appended) ---
"""Pipeline reference for scband-vqvae-21036749816293 (READ-ONLY COPY).

The authoritative reference and input builder live on the scoring server;
editing this copy changes nothing except your own understanding.
"""

import jax, jax.numpy as jnp
from jax import lax
import numpy as np

NUM_HIDDENS = 128
NUM_RES_LAYERS = 2
NUM_RES_HIDDENS = 32
NUM_EMBEDDINGS = 8192
EMBEDDING_DIM = 64
COMMITMENT_COST = 0.25
B, L = 8, 16384


def _circ_pad(x, p):
    return jnp.concatenate([x[:, :, -p:], x, x[:, :, :p]], axis=2)


def _conv1d(x, W, b=None, stride=1, pad=0, circular=False):
    if circular and pad > 0:
        x = _circ_pad(x, pad)
        padding = ((0, 0),)
    else:
        padding = ((pad, pad),)
    out = lax.conv_general_dilated(x, W, (stride,), padding, dimension_numbers=('NCH', 'OIH', 'NCH'))
    if b is not None:
        out = out + b[None, :, None]
    return out


def _conv_transpose1d(x, W, b, stride, pad):
    k = W.shape[-1]
    out = lax.conv_general_dilated(x, W[:, :, ::-1], (1,), ((k - 1 - pad, k - 1 - pad),), lhs_dilation=(stride,), dimension_numbers=('NCH', 'OIH', 'NCH'))
    return out + b[None, :, None]


def _residual_stack(x, ws):
    for (w1, w2) in ws:
        h = jax.nn.relu(x)
        h = _conv1d(h, w1, stride=1, pad=1, circular=True)
        h = jax.nn.relu(h)
        h = _conv1d(h, w2)
        x = x + h
    return jax.nn.relu(x)


def setup_inputs(seed: int = 0):
    key = jax.random.key(seed)
    ks = jax.random.split(key, 40)
    def w(i, shape, s=0.05):
        return jax.random.normal(ks[i], shape, dtype=jnp.float32) * s
    H, RH, D, K = NUM_HIDDENS, NUM_RES_HIDDENS, EMBEDDING_DIM, NUM_EMBEDDINGS
    params = {
        'enc_c1_w': w(0, (H // 2, 1, 4)), 'enc_c1_b': w(1, (H // 2,)),
        'enc_c2_w': w(2, (H, H // 2, 4)), 'enc_c2_b': w(3, (H,)),
        'enc_c3_w': w(4, (H, H, 4)), 'enc_c3_b': w(5, (H,)),
        'enc_c4_w': w(6, (H, H, 4)), 'enc_c4_b': w(7, (H,)),
        'enc_cf_w': w(8, (H, H, 3)), 'enc_cf_b': w(9, (H,)),
        'enc_r0_w1': w(10, (RH, H, 3)), 'enc_r0_w2': w(11, (H, RH, 1)),
        'enc_r1_w1': w(12, (RH, H, 3)), 'enc_r1_w2': w(13, (H, RH, 1)),
        'pre_vq_w': w(14, (D, H, 1)), 'pre_vq_b': w(15, (D,)),
        'codebook': jax.random.normal(ks[16], (K, D), dtype=jnp.float32),
        'dec_init_w': w(17, (H, D, 3)), 'dec_init_b': w(18, (H,)),
        'dec_r0_w1': w(19, (RH, H, 3)), 'dec_r0_w2': w(20, (H, RH, 1)),
        'dec_r1_w1': w(21, (RH, H, 3)), 'dec_r1_w2': w(22, (H, RH, 1)),
        'dec_t0_w': w(23, (H, H, 4)), 'dec_t0_b': w(24, (H,)),
        'dec_t1_w': w(25, (H, H, 4)), 'dec_t1_b': w(26, (H,)),
        'dec_t2_w': w(27, (H // 2, H, 4)), 'dec_t2_b': w(28, (H // 2,)),
        'dec_t3_w': w(29, (1, H // 2, 4)), 'dec_t3_b': w(30, (1,)),
    }
    x = jax.random.normal(ks[31], (B, 1, L), dtype=jnp.float32)
    return {'x': x, 'params': params}


def reference(x, params):
    p = params
    # Encoder (circular-padded strided convs)
    h = jax.nn.relu(_conv1d(x, p['enc_c1_w'], p['enc_c1_b'], stride=2, pad=1, circular=True))
    h = jax.nn.relu(_conv1d(h, p['enc_c2_w'], p['enc_c2_b'], stride=2, pad=1, circular=True))
    h = jax.nn.relu(_conv1d(h, p['enc_c3_w'], p['enc_c3_b'], stride=2, pad=1, circular=True))
    h = jax.nn.relu(_conv1d(h, p['enc_c4_w'], p['enc_c4_b'], stride=2, pad=1, circular=True))
    h = _conv1d(h, p['enc_cf_w'], p['enc_cf_b'], stride=1, pad=1, circular=True)
    h = _residual_stack(h, [(p['enc_r0_w1'], p['enc_r0_w2']), (p['enc_r1_w1'], p['enc_r1_w2'])])
    z = _conv1d(h, p['pre_vq_w'], p['pre_vq_b'])  # 1x1 conv to embedding_dim
    # Vector quantizer (EMA variant, eval mode: no buffer updates)
    zp = jnp.transpose(z, (0, 2, 1))  # [B, T, D]
    flat = zp.reshape(-1, EMBEDDING_DIM)
    E = p['codebook']
    dist = jnp.sum(flat ** 2, axis=1, keepdims=True) + jnp.sum(E ** 2, axis=1) - 2.0 * flat @ E.T
    idx = jnp.argmin(dist, axis=1)
    quantized = jnp.take(E, idx, axis=0).reshape(zp.shape)
    e_latent_loss = jnp.mean((lax.stop_gradient(quantized) - zp) ** 2)
    loss = COMMITMENT_COST * e_latent_loss
    q_st = zp + lax.stop_gradient(quantized - zp)
    counts = jnp.bincount(idx, length=NUM_EMBEDDINGS).astype(jnp.float32)
    avg_probs = counts / flat.shape[0]
    perplexity = jnp.exp(-jnp.sum(avg_probs * jnp.log(avg_probs + 1e-10)))
    qc = jnp.transpose(q_st, (0, 2, 1))  # [B, D, T]
    # Decoder
    d = _conv1d(qc, p['dec_init_w'], p['dec_init_b'], stride=1, pad=1, circular=False)
    d = _residual_stack(d, [(p['dec_r0_w1'], p['dec_r0_w2']), (p['dec_r1_w1'], p['dec_r1_w2'])])
    d = jax.nn.relu(_conv_transpose1d(d, p['dec_t0_w'], p['dec_t0_b'], 2, 1))
    d = jax.nn.relu(_conv_transpose1d(d, p['dec_t1_w'], p['dec_t1_b'], 2, 1))
    d = jax.nn.relu(_conv_transpose1d(d, p['dec_t2_w'], p['dec_t2_b'], 2, 1))
    x_recon = _conv_transpose1d(d, p['dec_t3_w'], p['dec_t3_b'], 2, 1)
    return (loss, x_recon, perplexity)

if __name__ == "__main__":
    import jax
    _d = setup_inputs()
    print(jax.jit(kernel)(*tuple(_d.values())))

</pallas_src>

<mosaic_0001>
#map = affine_map<(d0, d1) -> (0, 0)>
#map1 = affine_map<(d0, d1) -> (0)>
module attributes {stable_mosaic.version = 14 : i64} {
  func.func @k(%arg0: i32, %arg1: i32, %arg2: memref<8192x128xf32, #tpu.memory_space<hbm>>, %arg3: memref<8192xi32, #tpu.memory_space<hbm>>, %arg4: memref<8192xf32, #tpu.memory_space<hbm>>, %arg5: memref<128xf32, #tpu.memory_space<hbm>>, %arg6: memref<8192x128xf32, #tpu.memory_space<hbm>>, %arg7: memref<32x8192xf32, #tpu.memory_space<hbm>>, %arg8: memref<128xi32, #tpu.memory_space<vmem>>, %arg9: memref<128xi32, #tpu.memory_space<vmem>>, %arg10: memref<128x128xf32, #tpu.memory_space<vmem>>, %arg11: memref<128xf32, #tpu.memory_space<vmem>>, %arg12: memref<131072xf32, #tpu.memory_space<vmem_shared>>, %arg13: memref<!tpu.dma_semaphore, #tpu.memory_space<semaphore_mem>>) attributes {dimension_semantics = [#tpu.dimension_semantics<core_parallel>, #tpu.dimension_semantics<subcore_parallel>], iteration_bounds = array<i64: 2, 16>, scalar_prefetch = 0 : i64, scratch_operands = 6 : i64, tpu.core_type = #tpu.core_type<sc_vector_subcore>, window_params = [{transform_indices = #map}, {transform_indices = #map1}, {transform_indices = #map1}, {transform_indices = #map1}, {transform_indices = #map}, {transform_indices = #map}]} {
    %mul3A = arith.constant 2 : i32
    %mul3A_0 = arith.muli %arg1, %mul3A : i32
    %add3A = arith.addi %mul3A_0, %arg0 : i32
    %mul3A_1 = arith.constant 8192 : i32
    %mul3A_2 = arith.muli %arg1, %mul3A_1 : i32
    "tpu.region"() ({
      %run_scoped3A = tpu.sem_alloc : memref<!tpu.dma_semaphore, #tpu.memory_space<semaphore_mem>>
      %dma_start3A_197 = tpu.memref_slice %arg12[%mul3A_2] : memref<131072xf32, #tpu.memory_space<vmem_shared>> -> memref<8192xf32, #tpu.memory_space<vmem_shared>>
      tpu.enqueue_dma source(%arg4 : memref<8192xf32, #tpu.memory_space<hbm>>) target(%dma_start3A_197 : memref<8192xf32, #tpu.memory_space<vmem_shared>>) target_semaphore(%run_scoped3A : memref<!tpu.dma_semaphore, #tpu.memory_space<semaphore_mem>>)
      %dma_wait3A_198 = tpu.memref_slice %arg12[%mul3A_2] : memref<131072xf32, #tpu.memory_space<vmem_shared>> -> memref<8192xf32, #tpu.memory_space<vmem_shared>>
      tpu.wait_dma2 semaphore(%run_scoped3A : memref<!tpu.dma_semaphore, #tpu.memory_space<semaphore_mem>>) src(%arg4 : memref<8192xf32, #tpu.memory_space<hbm>>) dst(%dma_wait3A_198 : memref<8192xf32, #tpu.memory_space<vmem_shared>>)
      tpu.yield
    }) : () -> ()
    "tpu.region"() ({
      %run_scoped3A = tpu.sem_alloc : memref<!tpu.dma_semaphore, #tpu.memory_space<semaphore_mem>>
      tpu.enqueue_dma source(%arg5 : memref<128xf32, #tpu.memory_space<hbm>>) target(%arg11 : memref<128xf32, #tpu.memory_space<vmem>>) target_semaphore(%run_scoped3A : memref<!tpu.dma_semaphore, #tpu.memory_space<semaphore_mem>>)
      tpu.wait_dma2 semaphore(%run_scoped3A : memref<!tpu.dma_semaphore, #tpu.memory_space<semaphore_mem>>) src(%arg5 : memref<128xf32, #tpu.memory_space<hbm>>) dst(%arg11 : memref<128xf32, #tpu.memory_space<vmem>>)
      tpu.yield
    }) : () -> ()
    %mul3A_3 = arith.constant 256 : i32
    %mul3A_4 = arith.muli %add3A, %mul3A_3 : i32
    %add3A_5 = arith.constant 0 : i32
    %add3A_6 = arith.addi %mul3A_4, %add3A_5 : i32
    "tpu.region"() ({
      %run_scoped3A = tpu.sem_alloc : memref<!tpu.dma_semaphore, #tpu.memory_space<semaphore_mem>>
      %dma_start3A_197 = tpu.memref_slice %arg3[%add3A_6] : memref<8192xi32, #tpu.memory_space<hbm>> -> memref<128xi32, #tpu.memory_space<hbm>>
      %dma_start3A_198 = tpu.memref_slice %arg3[%add3A_6] : memref<8192xi32, #tpu.memory_space<hbm>> -> memref<128xi32, #tpu.memory_space<hbm>>
      tpu.enqueue_dma source(%dma_start3A_198 : memref<128xi32, #tpu.memory_space<hbm>>) target(%arg8 : memref<128xi32, #tpu.memory_space<vmem>>) target_semaphore(%run_scoped3A : memref<!tpu.dma_semaphore, #tpu.memory_space<semaphore_mem>>)
      %dma_wait3A_199 = tpu.memref_slice %arg3[%add3A_6] : memref<8192xi32, #tpu.memory_space<hbm>> -> memref<128xi32, #tpu.memory_space<hbm>>
      %dma_wait3A_200 = tpu.memref_slice %arg3[%add3A_6] : memref<8192xi32, #tpu.memory_space<hbm>> -> memref<128xi32, #tpu.memory_space<hbm>>
      tpu.wait_dma2 semaphore(%run_scoped3A : memref<!tpu.dma_semaphore, #tpu.memory_space<semaphore_mem>>) src(%dma_wait3A_200 : memref<128xi32, #tpu.memory_space<hbm>>) dst(%arg8 : memref<128xi32, #tpu.memory_space<vmem>>)
      tpu.yield
    }) : () -> ()
    %dma_start3A = arith.constant 0 : i32
    %dma_start3A_7 = arith.constant 0 : i32
    %dma_start3A_8 = tpu.memref_slice %arg2[%dma_start3A, %dma_start3A_7] : memref<8192x128xf32, #tpu.memory_space<hbm>> -> memref<8192x128xf32, #tpu.memory_space<hbm>>
    tpu.enqueue_indirect_dma source(%dma_start3A_8 : memref<8192x128xf32, #tpu.memory_space<hbm>>) target(%arg10 : memref<128x128xf32, #tpu.memory_space<vmem>>) offsets(%arg8 : memref<128xi32, #tpu.memory_space<vmem>>) semaphore(%arg13 : memref<!tpu.dma_semaphore, #tpu.memory_space<semaphore_mem>>)
    %dma_wait3A = arith.constant 0 : i32
    %dma_wait3A_9 = arith.constant 0 : i32
    %dma_wait3A_10 = tpu.memref_slice %arg2[%dma_wait3A, %dma_wait3A_9] : memref<8192x128xf32, #tpu.memory_space<hbm>> -> memref<8192x128xf32, #tpu.memory_space<hbm>>
    tpu.wait_indirect_dma semaphore(%arg13 : memref<!tpu.dma_semaphore, #tpu.memory_space<semaphore_mem>>) src(%dma_wait3A_10 : memref<8192x128xf32, #tpu.memory_space<hbm>>) dst(%arg10 : memref<128x128xf32, #tpu.memory_space<vmem>>)
    "tpu.region"() ({
      %run_scoped3A = tpu.sem_alloc : memref<!tpu.dma_semaphore, #tpu.memory_space<semaphore_mem>>
      %dma_start3A_197 = arith.constant 0 : i32
      %dma_start3A_198 = tpu.memref_slice %arg6[%add3A_6, %dma_start3A_197] : memref<8192x128xf32, #tpu.memory_space<hbm>> -> memref<128x128xf32, #tpu.memory_space<hbm>>
      %dma_start3A_199 = arith.constant 0 : i32
      %dma_start3A_200 = tpu.memref_slice %arg6[%add3A_6, %dma_start3A_199] : memref<8192x128xf32, #tpu.memory_space<hbm>> -> memref<128x128xf32, #tpu.memory_space<hbm>>
      tpu.enqueue_dma source(%arg10 : memref<128x128xf32, #tpu.memory_space<vmem>>) target(%dma_start3A_200 : memref<128x128xf32, #tpu.memory_space<hbm>>) target_semaphore(%run_scoped3A : memref<!tpu.dma_semaphore, #tpu.memory_space<semaphore_mem>>)
      %dma_wait3A_201 = arith.constant 0 : i32
      %dma_wait3A_202 = tpu.memref_slice %arg6[%add3A_6, %dma_wait3A_201] : memref<8192x128xf32, #tpu.memory_space<hbm>> -> memref<128x128xf32, #tpu.memory_space<hbm>>
      %dma_wait3A_203 = arith.constant 0 : i32
      %dma_wait3A_204 = tpu.memref_slice %arg6[%add3A_6, %dma_wait3A_203] : memref<8192x128xf32, #tpu.memory_space<hbm>> -> memref<128x128xf32, #tpu.memory_space<hbm>>
      tpu.wait_dma2 semaphore(%run_scoped3A : memref<!tpu.dma_semaphore, #tpu.memory_space<semaphore_mem>>) src(%arg10 : memref<128x128xf32, #tpu.memory_space<vmem>>) dst(%dma_wait3A_204 : memref<128x128xf32, #tpu.memory_space<hbm>>)
      tpu.yield
    }) : () -> ()
    %get3A = arith.constant 0 : index
    %get3A_11 = tpu.vector_load %arg8[%get3A] {strides = array<i32>} : memref<128xi32, #tpu.memory_space<vmem>>, vector<16xi32>,
    %get3A_12 = vector.shape_cast %get3A_11 : vector<16xi32> to vector<16xi32>
    %mul3A_13 = arith.constant 8192 : i32
    %mul3A_14 = arith.muli %arg1, %mul3A_13 : i32
    %add3A_15 = vector.broadcast %mul3A_14 : i32 to vector<16xi32>
    %add3A_16 = arith.addi %get3A_12, %add3A_15 : vector<16xi32>
    %swap3A = arith.constant 0 : index
    %swap3A_17 = tpu.vector_load %arg9[%swap3A] {strides = array<i32>} : memref<128xi32, #tpu.memory_space<vmem>>, vector<16xi32>,
    %swap3A_18 = vector.shape_cast %swap3A_17 : vector<16xi32> to vector<16xi32>
    %swap3A_19 = vector.shape_cast %add3A_16 : vector<16xi32> to vector<16xi32>
    tpu.vector_store %arg9[%swap3A], %swap3A_19 {strides = array<i32>} : memref<128xi32, #tpu.memory_space<vmem>>, vector<16xi32>,
    %get3A_20 = arith.constant 16 : index
    %get3A_21 = tpu.vector_load %arg8[%get3A_20] {strides = array<i32>} : memref<128xi32, #tpu.memory_space<vmem>>, vector<16xi32>,
    %get3A_22 = vector.shape_cast %get3A_21 : vector<16xi32> to vector<16xi32>
    %mul3A_23 = arith.constant 8192 : i32
    %mul3A_24 = arith.muli %arg1, %mul3A_23 : i32
    %add3A_25 = vector.broadcast %mul3A_24 : i32 to vector<16xi32>
    %add3A_26 = arith.addi %get3A_22, %add3A_25 : vector<16xi32>
    %swap3A_27 = arith.constant 16 : index
    %swap3A_28 = tpu.vector_load %arg9[%swap3A_27] {strides = array<i32>} : memref<128xi32, #tpu.memory_space<vmem>>, vector<16xi32>,
    %swap3A_29 = vector.shape_cast %swap3A_28 : vector<16xi32> to vector<16xi32>
    %swap3A_30 = vector.shape_cast %add3A_26 : vector<16xi32> to vector<16xi32>
    tpu.vector_store %arg9[%swap3A_27], %swap3A_30 {strides = array<i32>} : memref<128xi32, #tpu.memory_space<vmem>>, vector<16xi32>,
    %get3A_31 = arith.constant 32 : index
    %get3A_32 = tpu.vector_load %arg8[%get3A_31] {strides = array<i32>} : memref<128xi32, #tpu.memory_space<vmem>>, vector<16xi32>,
    %get3A_33 = vector.shape_cast %get3A_32 : vector<16xi32> to vector<16xi32>
    %mul3A_34 = arith.constant 8192 : i32
    %mul3A_35 = arith.muli %arg1, %mul3A_34 : i32
    %add3A_36 = vector.broadcast %mul3A_35 : i32 to vector<16xi32>
    %add3A_37 = arith.addi %get3A_33, %add3A_36 : vector<16xi32>
    %swap3A_38 = arith.constant 32 : index
    %swap3A_39 = tpu.vector_load %arg9[%swap3A_38] {strides = array<i32>} : memref<128xi32, #tpu.memory_space<vmem>>, vector<16xi32>,
    %swap3A_40 = vector.shape_cast %swap3A_39 : vector<16xi32> to vector<16xi32>
    %swap3A_41 = vector.shape_cast %add3A_37 : vector<16xi32> to vector<16xi32>
    tpu.vector_store %arg9[%swap3A_38], %swap3A_41 {strides = array<i32>} : memref<128xi32, #tpu.memory_space<vmem>>, vector<16xi32>,
    %get3A_42 = arith.constant 48 : index
    %get3A_43 = tpu.vector_load %arg8[%get3A_42] {strides = array<i32>} : memref<128xi32, #tpu.memory_space<vmem>>, vector<16xi32>,
    %get3A_44 = vector.shape_cast %get3A_43 : vector<16xi32> to vector<16xi32>
    %mul3A_45 = arith.constant 8192 : i32
    %mul3A_46 = arith.muli %arg1, %mul3A_45 : i32
    %add3A_47 = vector.broadcast %mul3A_46 : i32 to vector<16xi32>
    %add3A_48 = arith.addi %get3A_44, %add3A_47 : vector<16xi32>
    %swap3A_49 = arith.constant 48 : index
    %swap3A_50 = tpu.vector_load %arg9[%swap3A_49] {strides = array<i32>} : memref<128xi32, #tpu.memory_space<vmem>>, vector<16xi32>,
    %swap3A_51 = vector.shape_cast %swap3A_50 : vector<16xi32> to vector<16xi32>
    %swap3A_52 = vector.shape_cast %add3A_48 : vector<16xi32> to vector<16xi32>
    tpu.vector_store %arg9[%swap3A_49], %swap3A_52 {strides = array<i32>} : memref<128xi32, #tpu.memory_space<vmem>>, vector<16xi32>,
    %get3A_53 = arith.constant 64 : index
    %get3A_54 = tpu.vector_load %arg8[%get3A_53] {strides = array<i32>} : memref<128xi32, #tpu.memory_space<vmem>>, vector<16xi32>,
    %get3A_55 = vector.shape_cast %get3A_54 : vector<16xi32> to vector<16xi32>
    %mul3A_56 = arith.constant 8192 : i32
    %mul3A_57 = arith.muli %arg1, %mul3A_56 : i32
    %add3A_58 = vector.broadcast %mul3A_57 : i32 to vector<16xi32>
    %add3A_59 = arith.addi %get3A_55, %add3A_58 : vector<16xi32>
    %swap3A_60 = arith.constant 64 : index
    %swap3A_61 = tpu.vector_load %arg9[%swap3A_60] {strides = array<i32>} : memref<128xi32, #tpu.memory_space<vmem>>, vector<16xi32>,
    %swap3A_62 = vector.shape_cast %swap3A_61 : vector<16xi32> to vector<16xi32>
    %swap3A_63 = vector.shape_cast %add3A_59 : vector<16xi32> to vector<16xi32>
    tpu.vector_store %arg9[%swap3A_60], %swap3A_63 {strides = array<i32>} : memref<128xi32, #tpu.memory_space<vmem>>, vector<16xi32>,
    %get3A_64 = arith.constant 80 : index
    %get3A_65 = tpu.vector_load %arg8[%get3A_64] {strides = array<i32>} : memref<128xi32, #tpu.memory_space<vmem>>, vector<16xi32>,
    %get3A_66 = vector.shape_cast %get3A_65 : vector<16xi32> to vector<16xi32>
    %mul3A_67 = arith.constant 8192 : i32
    %mul3A_68 = arith.muli %arg1, %mul3A_67 : i32
    %add3A_69 = vector.broadcast %mul3A_68 : i32 to vector<16xi32>
    %add3A_70 = arith.addi %get3A_66, %add3A_69 : vector<16xi32>
    %swap3A_71 = arith.constant 80 : index
    %swap3A_72 = tpu.vector_load %arg9[%swap3A_71] {strides = array<i32>} : memref<128xi32, #tpu.memory_space<vmem>>, vector<16xi32>,
    %swap3A_73 = vector.shape_cast %swap3A_72 : vector<16xi32> to vector<16xi32>
    %swap3A_74 = vector.shape_cast %add3A_70 : vector<16xi32> to vector<16xi32>
    tpu.vector_store %arg9[%swap3A_71], %swap3A_74 {strides = array<i32>} : memref<128xi32, #tpu.memory_space<vmem>>, vector<16xi32>,
    %get3A_75 = arith.constant 96 : index
    %get3A_76 = tpu.vector_load %arg8[%get3A_75] {strides = array<i32>} : memref<128xi32, #tpu.memory_space<vmem>>, vector<16xi32>,
    %get3A_77 = vector.shape_cast %get3A_76 : vector<16xi32> to vector<16xi32>
    %mul3A_78 = arith.constant 8192 : i32
    %mul3A_79 = arith.muli %arg1, %mul3A_78 : i32
    %add3A_80 = vector.broadcast %mul3A_79 : i32 to vector<16xi32>
    %add3A_81 = arith.addi %get3A_77, %add3A_80 : vector<16xi32>
    %swap3A_82 = arith.constant 96 : index
    %swap3A_83 = tpu.vector_load %arg9[%swap3A_82] {strides = array<i32>} : memref<128xi32, #tpu.memory_space<vmem>>, vector<16xi32>,
    %swap3A_84 = vector.shape_cast %swap3A_83 : vector<16xi32> to vector<16xi32>
    %swap3A_85 = vector.shape_cast %add3A_81 : vector<16xi32> to vector<16xi32>
    tpu.vector_store %arg9[%swap3A_82], %swap3A_85 {strides = array<i32>} : memref<128xi32, #tpu.memory_space<vmem>>, vector<16xi32>,
    %get3A_86 = arith.constant 112 : index
    %get3A_87 = tpu.vector_load %arg8[%get3A_86] {strides = array<i32>} : memref<128xi32, #tpu.memory_space<vmem>>, vector<16xi32>,
    %get3A_88 = vector.shape_cast %get3A_87 : vector<16xi32> to vector<16xi32>
    %mul3A_89 = arith.constant 8192 : i32
    %mul3A_90 = arith.muli %arg1, %mul3A_89 : i32
    %add3A_91 = vector.broadcast %mul3A_90 : i32 to vector<16xi32>
    %add3A_92 = arith.addi %get3A_88, %add3A_91 : vector<16xi32>
    %swap3A_93 = arith.constant 112 : index
    %swap3A_94 = tpu.vector_load %arg9[%swap3A_93] {strides = array<i32>} : memref<128xi32, #tpu.memory_space<vmem>>, vector<16xi32>,
    %swap3A_95 = vector.shape_cast %swap3A_94 : vector<16xi32> to vector<16xi32>
    %swap3A_96 = vector.shape_cast %add3A_92 : vector<16xi32> to vector<16xi32>
    tpu.vector_store %arg9[%swap3A_93], %swap3A_96 {strides = array<i32>} : memref<128xi32, #tpu.memory_space<vmem>>, vector<16xi32>,
    "tpu.region"() ({
      %run_scoped3A = tpu.sem_alloc : memref<!tpu.dma_semaphore, #tpu.memory_space<semaphore_mem>>
      %dma_start3A_197 = arith.constant 0 : i32
      %dma_start3A_198 = tpu.memref_slice %arg12[%dma_start3A_197] : memref<131072xf32, #tpu.memory_space<vmem_shared>> -> memref<131072xf32, #tpu.memory_space<vmem_shared>>
      tpu.enqueue_indirect_dma source(%arg11 : memref<128xf32, #tpu.memory_space<vmem>>) target(%dma_start3A_198 : memref<131072xf32, #tpu.memory_space<vmem_shared>>) offsets(%arg9 : memref<128xi32, #tpu.memory_space<vmem>>) semaphore(%run_scoped3A : memref<!tpu.dma_semaphore, #tpu.memory_space<semaphore_mem>>) {add = true}
      %dma_wait3A_199 = arith.constant 0 : i32
      %dma_wait3A_200 = tpu.memref_slice %arg12[%dma_wait3A_199] : memref<131072xf32, #tpu.memory_space<vmem_shared>> -> memref<131072xf32, #tpu.memory_space<vmem_shared>>
      tpu.wait_indirect_dma semaphore(%run_scoped3A : memref<!tpu.dma_semaphore, #tpu.memory_space<semaphore_mem>>) src(%arg11 : memref<128xf32, #tpu.memory_space<vmem>>) dst(%dma_wait3A_200 : memref<131072xf32, #tpu.memory_space<vmem_shared>>)
      tpu.yield
    }) : () -> ()
    %mul3A_97 = arith.constant 256 : i32
    %mul3A_98 = arith.muli %add3A, %mul3A_97 : i32
    %add3A_99 = arith.constant 128 : i32
    %add3A_100 = arith.addi %mul3A_98, %add3A_99 : i32
    "tpu.region"() ({
      %run_scoped3A = tpu.sem_alloc : memref<!tpu.dma_semaphore, #tpu.memory_space<semaphore_mem>>
      %dma_start3A_197 = tpu.memref_slice %arg3[%add3A_100] : memref<8192xi32, #tpu.memory_space<hbm>> -> memref<128xi32, #tpu.memory_space<hbm>>
      %dma_start3A_198 = tpu.memref_slice %arg3[%add3A_100] : memref<8192xi32, #tpu.memory_space<hbm>> -> memref<128xi32, #tpu.memory_space<hbm>>
      tpu.enqueue_dma source(%dma_start3A_198 : memref<128xi32, #tpu.memory_space<hbm>>) target(%arg8 : memref<128xi32, #tpu.memory_space<vmem>>) target_semaphore(%run_scoped3A : memref<!tpu.dma_semaphore, #tpu.memory_space<semaphore_mem>>)
      %dma_wait3A_199 = tpu.memref_slice %arg3[%add3A_100] : memref<8192xi32, #tpu.memory_space<hbm>> -> memref<128xi32, #tpu.memory_space<hbm>>
      %dma_wait3A_200 = tpu.memref_slice %arg3[%add3A_100] : memref<8192xi32, #tpu.memory_space<hbm>> -> memref<128xi32, #tpu.memory_space<hbm>>
      tpu.wait_dma2 semaphore(%run_scoped3A : memref<!tpu.dma_semaphore, #tpu.memory_space<semaphore_mem>>) src(%dma_wait3A_200 : memref<128xi32, #tpu.memory_space<hbm>>) dst(%arg8 : memref<128xi32, #tpu.memory_space<vmem>>)
      tpu.yield
    }) : () -> ()
    %dma_start3A_101 = arith.constant 0 : i32
    %dma_start3A_102 = arith.constant 0 : i32
    %dma_start3A_103 = tpu.memref_slice %arg2[%dma_start3A_101, %dma_start3A_102] : memref<8192x128xf32, #tpu.memory_space<hbm>> -> memref<8192x128xf32, #tpu.memory_space<hbm>>
    tpu.enqueue_indirect_dma source(%dma_start3A_103 : memref<8192x128xf32, #tpu.memory_space<hbm>>) target(%arg10 : memref<128x128xf32, #tpu.memory_space<vmem>>) offsets(%arg8 : memref<128xi32, #tpu.memory_space<vmem>>) semaphore(%arg13 : memref<!tpu.dma_semaphore, #tpu.memory_space<semaphore_mem>>)
    %dma_wait3A_104 = arith.constant 0 : i32
    %dma_wait3A_105 = arith.constant 0 : i32
    %dma_wait3A_106 = tpu.memref_slice %arg2[%dma_wait3A_104, %dma_wait3A_105] : memref<8192x128xf32, #tpu.memory_space<hbm>> -> memref<8192x128xf32, #tpu.memory_space<hbm>>
    tpu.wait_indirect_dma semaphore(%arg13 : memref<!tpu.dma_semaphore, #tpu.memory_space<semaphore_mem>>) src(%dma_wait3A_106 : memref<8192x128xf32, #tpu.memory_space<hbm>>) dst(%arg10 : memref<128x128xf32, #tpu.memory_space<vmem>>)
    "tpu.region"() ({
      %run_scoped3A = tpu.sem_alloc : memref<!tpu.dma_semaphore, #tpu.memory_space<semaphore_mem>>
      %dma_start3A_197 = arith.constant 0 : i32
      %dma_start3A_198 = tpu.memref_slice %arg6[%add3A_100, %dma_start3A_197] : memref<8192x128xf32, #tpu.memory_space<hbm>> -> memref<128x128xf32, #tpu.memory_space<hbm>>
      %dma_start3A_199 = arith.constant 0 : i32
      %dma_start3A_200 = tpu.memref_slice %arg6[%add3A_100, %dma_start3A_199] : memref<8192x128xf32, #tpu.memory_space<hbm>> -> memref<128x128xf32, #tpu.memory_space<hbm>>
      tpu.enqueue_dma source(%arg10 : memref<128x128xf32, #tpu.memory_space<vmem>>) target(%dma_start3A_200 : memref<128x128xf32, #tpu.memory_space<hbm>>) target_semaphore(%run_scoped3A : memref<!tpu.dma_semaphore, #tpu.memory_space<semaphore_mem>>)
      %dma_wait3A_201 = arith.constant 0 : i32
      %dma_wait3A_202 = tpu.memref_slice %arg6[%add3A_100, %dma_wait3A_201] : memref<8192x128xf32, #tpu.memory_space<hbm>> -> memref<128x128xf32, #tpu.memory_space<hbm>>
      %dma_wait3A_203 = arith.constant 0 : i32
      %dma_wait3A_204 = tpu.memref_slice %arg6[%add3A_100, %dma_wait3A_203] : memref<8192x128xf32, #tpu.memory_space<hbm>> -> memref<128x128xf32, #tpu.memory_space<hbm>>
      tpu.wait_dma2 semaphore(%run_scoped3A : memref<!tpu.dma_semaphore, #tpu.memory_space<semaphore_mem>>) src(%arg10 : memref<128x128xf32, #tpu.memory_space<vmem>>) dst(%dma_wait3A_204 : memref<128x128xf32, #tpu.memory_space<hbm>>)
      tpu.yield
    }) : () -> ()
    %get3A_107 = arith.constant 0 : index
    %get3A_108 = tpu.vector_load %arg8[%get3A_107] {strides = array<i32>} : memref<128xi32, #tpu.memory_space<vmem>>, vector<16xi32>,
    %get3A_109 = vector.shape_cast %get3A_108 : vector<16xi32> to vector<16xi32>
    %mul3A_110 = arith.constant 8192 : i32
    %mul3A_111 = arith.muli %arg1, %mul3A_110 : i32
    %add3A_112 = vector.broadcast %mul3A_111 : i32 to vector<16xi32>
    %add3A_113 = arith.addi %get3A_109, %add3A_112 : vector<16xi32>
    %swap3A_114 = arith.constant 0 : index
    %swap3A_115 = tpu.vector_load %arg9[%swap3A_114] {strides = array<i32>} : memref<128xi32, #tpu.memory_space<vmem>>, vector<16xi32>,
    %swap3A_116 = vector.shape_cast %swap3A_115 : vector<16xi32> to vector<16xi32>
    %swap3A_117 = vector.shape_cast %add3A_113 : vector<16xi32> to vector<16xi32>
    tpu.vector_store %arg9[%swap3A_114], %swap3A_117 {strides = array<i32>} : memref<128xi32, #tpu.memory_space<vmem>>, vector<16xi32>,
    %get3A_118 = arith.constant 16 : index
    %get3A_119 = tpu.vector_load %arg8[%get3A_118] {strides = array<i32>} : memref<128xi32, #tpu.memory_space<vmem>>, vector<16xi32>,
    %get3A_120 = vector.shape_cast %get3A_119 : vector<16xi32> to vector<16xi32>
    %mul3A_121 = arith.constant 8192 : i32
    %mul3A_122 = arith.muli %arg1, %mul3A_121 : i32
    %add3A_123 = vector.broadcast %mul3A_122 : i32 to vector<16xi32>
    %add3A_124 = arith.addi %get3A_120, %add3A_123 : vector<16xi32>
    %swap3A_125 = arith.constant 16 : index
    %swap3A_126 = tpu.vector_load %arg9[%swap3A_125] {strides = array<i32>} : memref<128xi32, #tpu.memory_space<vmem>>, vector<16xi32>,
    %swap3A_127 = vector.shape_cast %swap3A_126 : vector<16xi32> to vector<16xi32>
    %swap3A_128 = vector.shape_cast %add3A_124 : vector<16xi32> to vector<16xi32>
    tpu.vector_store %arg9[%swap3A_125], %swap3A_128 {strides = array<i32>} : memref<128xi32, #tpu.memory_space<vmem>>, vector<16xi32>,
    %get3A_129 = arith.constant 32 : index
    %get3A_130 = tpu.vector_load %arg8[%get3A_129] {strides = array<i32>} : memref<128xi32, #tpu.memory_space<vmem>>, vector<16xi32>,
    %get3A_131 = vector.shape_cast %get3A_130 : vector<16xi32> to vector<16xi32>
    %mul3A_132 = arith.constant 8192 : i32
    %mul3A_133 = arith.muli %arg1, %mul3A_132 : i32
    %add3A_134 = vector.broadcast %mul3A_133 : i32 to vector<16xi32>
    %add3A_135 = arith.addi %get3A_131, %add3A_134 : vector<16xi32>
    %swap3A_136 = arith.constant 32 : index
    %swap3A_137 = tpu.vector_load %arg9[%swap3A_136] {strides = array<i32>} : memref<128xi32, #tpu.memory_space<vmem>>, vector<16xi32>,
    %swap3A_138 = vector.shape_cast %swap3A_137 : vector<16xi32> to vector<16xi32>
    %swap3A_139 = vector.shape_cast %add3A_135 : vector<16xi32> to vector<16xi32>
    tpu.vector_store %arg9[%swap3A_136], %swap3A_139 {strides = array<i32>} : memref<128xi32, #tpu.memory_space<vmem>>, vector<16xi32>,
    %get3A_140 = arith.constant 48 : index
    %get3A_141 = tpu.vector_load %arg8[%get3A_140] {strides = array<i32>} : memref<128xi32, #tpu.memory_space<vmem>>, vector<16xi32>,
    %get3A_142 = vector.shape_cast %get3A_141 : vector<16xi32> to vector<16xi32>
    %mul3A_143 = arith.constant 8192 : i32
    %mul3A_144 = arith.muli %arg1, %mul3A_143 : i32
    %add3A_145 = vector.broadcast %mul3A_144 : i32 to vector<16xi32>
    %add3A_146 = arith.addi %get3A_142, %add3A_145 : vector<16xi32>
    %swap3A_147 = arith.constant 48 : index
    %swap3A_148 = tpu.vector_load %arg9[%swap3A_147] {strides = array<i32>} : memref<128xi32, #tpu.memory_space<vmem>>, vector<16xi32>,
    %swap3A_149 = vector.shape_cast %swap3A_148 : vector<16xi32> to vector<16xi32>
    %swap3A_150 = vector.shape_cast %add3A_146 : vector<16xi32> to vector<16xi32>
    tpu.vector_store %arg9[%swap3A_147], %swap3A_150 {strides = array<i32>} : memref<128xi32, #tpu.memory_space<vmem>>, vector<16xi32>,
    %get3A_151 = arith.constant 64 : index
    %get3A_152 = tpu.vector_load %arg8[%get3A_151] {strides = array<i32>} : memref<128xi32, #tpu.memory_space<vmem>>, vector<16xi32>,
    %get3A_153 = vector.shape_cast %get3A_152 : vector<16xi32> to vector<16xi32>
    %mul3A_154 = arith.constant 8192 : i32
    %mul3A_155 = arith.muli %arg1, %mul3A_154 : i32
    %add3A_156 = vector.broadcast %mul3A_155 : i32 to vector<16xi32>
    %add3A_157 = arith.addi %get3A_153, %add3A_156 : vector<16xi32>
    %swap3A_158 = arith.constant 64 : index
    %swap3A_159 = tpu.vector_load %arg9[%swap3A_158] {strides = array<i32>} : memref<128xi32, #tpu.memory_space<vmem>>, vector<16xi32>,
    %swap3A_160 = vector.shape_cast %swap3A_159 : vector<16xi32> to vector<16xi32>
    %swap3A_161 = vector.shape_cast %add3A_157 : vector<16xi32> to vector<16xi32>
    tpu.vector_store %arg9[%swap3A_158], %swap3A_161 {strides = array<i32>} : memref<128xi32, #tpu.memory_space<vmem>>, vector<16xi32>,
    %get3A_162 = arith.constant 80 : index
    %get3A_163 = tpu.vector_load %arg8[%get3A_162] {strides = array<i32>} : memref<128xi32, #tpu.memory_space<vmem>>, vector<16xi32>,
    %get3A_164 = vector.shape_cast %get3A_163 : vector<16xi32> to vector<16xi32>
    %mul3A_165 = arith.constant 8192 : i32
    %mul3A_166 = arith.muli %arg1, %mul3A_165 : i32
    %add3A_167 = vector.broadcast %mul3A_166 : i32 to vector<16xi32>
    %add3A_168 = arith.addi %get3A_164, %add3A_167 : vector<16xi32>
    %swap3A_169 = arith.constant 80 : index
    %swap3A_170 = tpu.vector_load %arg9[%swap3A_169] {strides = array<i32>} : memref<128xi32, #tpu.memory_space<vmem>>, vector<16xi32>,
    %swap3A_171 = vector.shape_cast %swap3A_170 : vector<16xi32> to vector<16xi32>
    %swap3A_172 = vector.shape_cast %add3A_168 : vector<16xi32> to vector<16xi32>
    tpu.vector_store %arg9[%swap3A_169], %swap3A_172 {strides = array<i32>} : memref<128xi32, #tpu.memory_space<vmem>>, vector<16xi32>,
    %get3A_173 = arith.constant 96 : index
    %get3A_174 = tpu.vector_load %arg8[%get3A_173] {strides = array<i32>} : memref<128xi32, #tpu.memory_space<vmem>>, vector<16xi32>,
    %get3A_175 = vector.shape_cast %get3A_174 : vector<16xi32> to vector<16xi32>
    %mul3A_176 = arith.constant 8192 : i32
    %mul3A_177 = arith.muli %arg1, %mul3A_176 : i32
    %add3A_178 = vector.broadcast %mul3A_177 : i32 to vector<16xi32>
    %add3A_179 = arith.addi %get3A_175, %add3A_178 : vector<16xi32>
    %swap3A_180 = arith.constant 96 : index
    %swap3A_181 = tpu.vector_load %arg9[%swap3A_180] {strides = array<i32>} : memref<128xi32, #tpu.memory_space<vmem>>, vector<16xi32>,
    %swap3A_182 = vector.shape_cast %swap3A_181 : vector<16xi32> to vector<16xi32>
    %swap3A_183 = vector.shape_cast %add3A_179 : vector<16xi32> to vector<16xi32>
    tpu.vector_store %arg9[%swap3A_180], %swap3A_183 {strides = array<i32>} : memref<128xi32, #tpu.memory_space<vmem>>, vector<16xi32>,
    %get3A_184 = arith.constant 112 : index
    %get3A_185 = tpu.vector_load %arg8[%get3A_184] {strides = array<i32>} : memref<128xi32, #tpu.memory_space<vmem>>, vector<16xi32>,
    %get3A_186 = vector.shape_cast %get3A_185 : vector<16xi32> to vector<16xi32>
    %mul3A_187 = arith.constant 8192 : i32
    %mul3A_188 = arith.muli %arg1, %mul3A_187 : i32
    %add3A_189 = vector.broadcast %mul3A_188 : i32 to vector<16xi32>
    %add3A_190 = arith.addi %get3A_186, %add3A_189 : vector<16xi32>
    %swap3A_191 = arith.constant 112 : index
    %swap3A_192 = tpu.vector_load %arg9[%swap3A_191] {strides = array<i32>} : memref<128xi32, #tpu.memory_space<vmem>>, vector<16xi32>,
    %swap3A_193 = vector.shape_cast %swap3A_192 : vector<16xi32> to vector<16xi32>
    %swap3A_194 = vector.shape_cast %add3A_190 : vector<16xi32> to vector<16xi32>
    tpu.vector_store %arg9[%swap3A_191], %swap3A_194 {strides = array<i32>} : memref<128xi32, #tpu.memory_space<vmem>>, vector<16xi32>,
    "tpu.region"() ({
      %run_scoped3A = tpu.sem_alloc : memref<!tpu.dma_semaphore, #tpu.memory_space<semaphore_mem>>
      %dma_start3A_197 = arith.constant 0 : i32
      %dma_start3A_198 = tpu.memref_slice %arg12[%dma_start3A_197] : memref<131072xf32, #tpu.memory_space<vmem_shared>> -> memref<131072xf32, #tpu.memory_space<vmem_shared>>
      tpu.enqueue_indirect_dma source(%arg11 : memref<128xf32, #tpu.memory_space<vmem>>) target(%dma_start3A_198 : memref<131072xf32, #tpu.memory_space<vmem_shared>>) offsets(%arg9 : memref<128xi32, #tpu.memory_space<vmem>>) semaphore(%run_scoped3A : memref<!tpu.dma_semaphore, #tpu.memory_space<semaphore_mem>>) {add = true}
      %dma_wait3A_199 = arith.constant 0 : i32
      %dma_wait3A_200 = tpu.memref_slice %arg12[%dma_wait3A_199] : memref<131072xf32, #tpu.memory_space<vmem_shared>> -> memref<131072xf32, #tpu.memory_space<vmem_shared>>
      tpu.wait_indirect_dma semaphore(%run_scoped3A : memref<!tpu.dma_semaphore, #tpu.memory_space<semaphore_mem>>) src(%arg11 : memref<128xf32, #tpu.memory_space<vmem>>) dst(%dma_wait3A_200 : memref<131072xf32, #tpu.memory_space<vmem_shared>>)
      tpu.yield
    }) : () -> ()
    %mul3A_195 = arith.constant 8192 : i32
    %mul3A_196 = arith.muli %arg1, %mul3A_195 : i32
    "tpu.region"() ({
      %run_scoped3A = tpu.sem_alloc : memref<!tpu.dma_semaphore, #tpu.memory_space<semaphore_mem>>
      %dma_start3A_197 = arith.constant 0 : i32
      %dma_start3A_198 = tpu.memref_slice %arg7[%add3A, %dma_start3A_197] : memref<32x8192xf32, #tpu.memory_space<hbm>> -> memref<1x8192xf32, #tpu.memory_space<hbm>>
      %dma_start3A_199 = tpu.memref_squeeze %dma_start3A_198 : memref<1x8192xf32, #tpu.memory_space<hbm>> -> memref<8192xf32, #tpu.memory_space<hbm>>
      %dma_start3A_200 = tpu.memref_slice %arg12[%mul3A_196] : memref<131072xf32, #tpu.memory_space<vmem_shared>> -> memref<8192xf32, #tpu.memory_space<vmem_shared>>
      tpu.enqueue_dma source(%dma_start3A_200 : memref<8192xf32, #tpu.memory_space<vmem_shared>>) target(%dma_start3A_199 : memref<8192xf32, #tpu.memory_space<hbm>>) target_semaphore(%run_scoped3A : memref<!tpu.dma_semaphore, #tpu.memory_space<semaphore_mem>>)
      %dma_wait3A_201 = arith.constant 0 : i32
      %dma_wait3A_202 = tpu.memref_slice %arg7[%add3A, %dma_wait3A_201] : memref<32x8192xf32, #tpu.memory_space<hbm>> -> memref<1x8192xf32, #tpu.memory_space<hbm>>
      %dma_wait3A_203 = tpu.memref_squeeze %dma_wait3A_202 : memref<1x8192xf32, #tpu.memory_space<hbm>> -> memref<8192xf32, #tpu.memory_space<hbm>>
      %dma_wait3A_204 = tpu.memref_slice %arg12[%mul3A_196] : memref<131072xf32, #tpu.memory_space<vmem_shared>> -> memref<8192xf32, #tpu.memory_space<vmem_shared>>
      tpu.wait_dma2 semaphore(%run_scoped3A : memref<!tpu.dma_semaphore, #tpu.memory_space<semaphore_mem>>) src(%dma_wait3A_204 : memref<8192xf32, #tpu.memory_space<vmem_shared>>) dst(%dma_wait3A_203 : memref<8192xf32, #tpu.memory_space<hbm>>)
      tpu.yield
    }) : () -> ()
    return
  }
}

module attributes {stable_mosaic.version = 14 : i64} {
  func.func @_vq_tc_kernel(%arg0: i32, %arg1: i32, %arg2: memref<1024x64xf32, #tpu.memory_space<vmem>>, %arg3: memref<64x1024xf32, #tpu.memory_space<vmem>>, %arg4: memref<1x1024xf32, #tpu.memory_space<vmem>>, %arg5: memref<1024x1xf32, #tpu.memory_space<vmem>>, %arg6: memref<1024x1xi32, #tpu.memory_space<vmem>>, %arg7: memref<1x1xf32, #tpu.memory_space<vmem>>, %arg8: memref<1024x1xf32, #tpu.memory_space<vmem>>, %arg9: memref<1024x1xi32, #tpu.memory_space<vmem>>) attributes {dimension_semantics = [#tpu.dimension_semantics<arbitrary>, #tpu.dimension_semantics<arbitrary>], iteration_bounds = array<i64: 8, 8>, scalar_prefetch = 0 : i64, scratch_operands = 2 : i64, tpu.core_type = #tpu.core_type<tc>, window_params = [{transform_indices = @transform_0, window_bounds = array<i64: 1024, 64>}, {transform_indices = @transform_1, window_bounds = array<i64: 64, 1024>}, {transform_indices = @transform_2, window_bounds = array<i64: 1, 1024>}, {transform_indices = @transform_3, window_bounds = array<i64: 1024, 1>}, {transform_indices = @transform_4, window_bounds = array<i64: 1024, 1>}, {pipeline_mode = #tpu.pipeline_mode<synchronous>, transform_indices = @transform_5, window_bounds = array<i64: 1, 1>}]} {
    %get3A = arith.constant 0 : index
    %get3A_0 = arith.constant 0 : index
    %get3A_1 = vector.load %arg2[%get3A, %get3A_0] : memref<1024x64xf32, #tpu.memory_space<vmem>>, vector<1024x64xf32>
    %get3A_2 = arith.constant 0 : index
    %get3A_3 = arith.constant 0 : index
    %get3A_4 = vector.load %arg3[%get3A_2, %get3A_3] : memref<64x1024xf32, #tpu.memory_space<vmem>>, vector<64x1024xf32>
    %dot_general3A = arith.constant dense<0.000000e+00> : vector<1024x1024xf32>
    %dot_general3A_5 = tpu.matmul %get3A_1, %get3A_4, %dot_general3A {dimension_numbers = #tpu.dot_dimension_numbers<[1], [0], [0], [1], [0, 0, 1, 1], [], []>, transpose_lhs_hint = false} : vector<1024x64xf32>, vector<64x1024xf32>, vector<1024x1024xf32> -> vector<1024x1024xf32>
    %get3A_6 = arith.constant 0 : index
    %get3A_7 = arith.constant 0 : index
    %get3A_8 = vector.load %arg5[%get3A_6, %get3A_7] : memref<1024x1xf32, #tpu.memory_space<vmem>>, vector<1024x1xf32>
    %get3A_9 = arith.constant 0 : index
    %get3A_10 = arith.constant 0 : index
    %get3A_11 = vector.load %arg4[%get3A_9, %get3A_10] : memref<1x1024xf32, #tpu.memory_space<vmem>>, vector<1x1024xf32>
    %add3A = vector.broadcast %get3A_8 : vector<1024x1xf32> to vector<1024x1024xf32>
    %add3A_12 = vector.broadcast %get3A_11 : vector<1x1024xf32> to vector<1024x1024xf32>
    %add3A_13 = arith.addf %add3A, %add3A_12 : vector<1024x1024xf32>
    %mul3A = arith.constant 2.000000e+00 : f32
    %mul3A_14 = vector.broadcast %mul3A : f32 to vector<1024x1024xf32>
    %mul3A_15 = arith.mulf %mul3A_14, %dot_general3A_5 : vector<1024x1024xf32>
    %sub3A = arith.subf %add3A_13, %mul3A_15 : vector<1024x1024xf32>
    %reduce_min3A = arith.constant dense<0x7F800000> : vector<1024xf32>
    %reduce_min3A_16 = vector.multi_reduction <minimumf>, %sub3A, %reduce_min3A [1] : vector<1024x1024xf32> to vector<1024xf32>
    %broadcast_in_dim3A = vector.shape_cast %reduce_min3A_16 : vector<1024xf32> to vector<1024x1xf32>
    %iota3A = tpu.iota {dimensions = array<i32: 1>} : vector<1024x1024xi32>
    %eq3A = vector.broadcast %broadcast_in_dim3A : vector<1024x1xf32> to vector<1024x1024xf32>
    %eq3A_17 = arith.cmpf oeq, %sub3A, %eq3A : vector<1024x1024xf32>
    %jit3A = arith.constant 8192 : i32
    %broadcast_in_dim3A_18 = vector.broadcast %jit3A : i32 to vector<1024x1024xi32>
    %select_n3A = arith.select %eq3A_17, %iota3A, %broadcast_in_dim3A_18 : vector<1024x1024xi1>, vector<1024x1024xi32>
    %reduce_min3A_19 = arith.constant dense<2147483647> : vector<1024xi32>
    %reduce_min3A_20 = vector.multi_reduction <minsi>, %select_n3A, %reduce_min3A_19 [1] : vector<1024x1024xi32> to vector<1024xi32>
    %broadcast_in_dim3A_21 = vector.shape_cast %reduce_min3A_20 : vector<1024xi32> to vector<1024x1xi32>
    %mul3A_22 = arith.constant 1024 : i32
    %mul3A_23 = arith.muli %arg1, %mul3A_22 : i32
    %add3A_24 = vector.broadcast %mul3A_23 : i32 to vector<1024x1xi32>
    %add3A_25 = arith.addi %broadcast_in_dim3A_21, %add3A_24 : vector<1024x1xi32>
    %eq3A_26 = arith.constant 0 : i32
    %eq3A_27 = arith.cmpi eq, %arg1, %eq3A_26 : i32
    %convert_element_type3A = arith.extui %eq3A_27 : i1 to i32
    %cond3A = arith.constant 0 : i32
    %cond3A_28 = arith.cmpi ne, %convert_element_type3A, %cond3A : i32
    scf.if %cond3A_28 {
      %swap3A = arith.constant 0 : index
      %swap3A_38 = arith.constant 0 : index
      %swap3A_39 = vector.load %arg8[%swap3A, %swap3A_38] : memref<1024x1xf32, #tpu.memory_space<vmem>>, vector<1024x1xf32>
      tpu.vector_store %arg8[%swap3A, %swap3A_38], %broadcast_in_dim3A {strides = array<i32>} : memref<1024x1xf32, #tpu.memory_space<vmem>>, vector<1024x1xf32>,
      %swap3A_40 = arith.constant 0 : index
      %swap3A_41 = arith.constant 0 : index
      %swap3A_42 = vector.load %arg9[%swap3A_40, %swap3A_41] : memref<1024x1xi32, #tpu.memory_space<vmem>>, vector<1024x1xi32>
      tpu.vector_store %arg9[%swap3A_40, %swap3A_41], %add3A_25 {strides = array<i32>} : memref<1024x1xi32, #tpu.memory_space<vmem>>, vector<1024x1xi32>,
    } else {
    }
    %gt3A = arith.constant 0 : i32
    %gt3A_29 = arith.cmpi sgt, %arg1, %gt3A : i32
    %convert_element_type3A_30 = arith.extui %gt3A_29 : i1 to i32
    %cond3A_31 = arith.constant 0 : i32
    %cond3A_32 = arith.cmpi ne, %convert_element_type3A_30, %cond3A_31 : i32
    scf.if %cond3A_32 {
      %get3A_38 = arith.constant 0 : index
      %get3A_39 = arith.constant 0 : index
      %get3A_40 = vector.load %arg8[%get3A_38, %get3A_39] : memref<1024x1xf32, #tpu.memory_space<vmem>>, vector<1024x1xf32>
      %lt3A = arith.cmpf olt, %broadcast_in_dim3A, %get3A_40 : vector<1024x1xf32>
      %get3A_41 = arith.constant 0 : index
      %get3A_42 = arith.constant 0 : index
      %get3A_43 = vector.load %arg9[%get3A_41, %get3A_42] : memref<1024x1xi32, #tpu.memory_space<vmem>>, vector<1024x1xi32>
      %select_n3A_44 = arith.select %lt3A, %add3A_25, %get3A_43 : vector<1024x1xi1>, vector<1024x1xi32>
      %swap3A = arith.constant 0 : index
      %swap3A_45 = arith.constant 0 : index
      %swap3A_46 = vector.load %arg9[%swap3A, %swap3A_45] : memref<1024x1xi32, #tpu.memory_space<vmem>>, vector<1024x1xi32>
      tpu.vector_store %arg9[%swap3A, %swap3A_45], %select_n3A_44 {strides = array<i32>} : memref<1024x1xi32, #tpu.memory_space<vmem>>, vector<1024x1xi32>,
      %get3A_47 = arith.constant 0 : index
      %get3A_48 = arith.constant 0 : index
      %get3A_49 = vector.load %arg8[%get3A_47, %get3A_48] : memref<1024x1xf32, #tpu.memory_space<vmem>>, vector<1024x1xf32>
      %select_n3A_50 = arith.select %lt3A, %broadcast_in_dim3A, %get3A_49 : vector<1024x1xi1>, vector<1024x1xf32>
      %swap3A_51 = arith.constant 0 : index
      %swap3A_52 = arith.constant 0 : index
      %swap3A_53 = vector.load %arg8[%swap3A_51, %swap3A_52] : memref<1024x1xf32, #tpu.memory_space<vmem>>, vector<1024x1xf32>
      tpu.vector_store %arg8[%swap3A_51, %swap3A_52], %select_n3A_50 {strides = array<i32>} : memref<1024x1xf32, #tpu.memory_space<vmem>>, vector<1024x1xf32>,
    } else {
    }
    %eq3A_33 = arith.constant 7 : i32
    %eq3A_34 = arith.cmpi eq, %arg1, %eq3A_33 : i32
    %convert_element_type3A_35 = arith.extui %eq3A_34 : i1 to i32
    %cond3A_36 = arith.constant 0 : i32
    %cond3A_37 = arith.cmpi ne, %convert_element_type3A_35, %cond3A_36 : i32
    scf.if %cond3A_37 {
      %get3A_38 = arith.constant 0 : index
      %get3A_39 = arith.constant 0 : index
      %get3A_40 = vector.load %arg9[%get3A_38, %get3A_39] : memref<1024x1xi32, #tpu.memory_space<vmem>>, vector<1024x1xi32>
      %swap3A = arith.constant 0 : index
      %swap3A_41 = arith.constant 0 : index
      %swap3A_42 = vector.load %arg6[%swap3A, %swap3A_41] : memref<1024x1xi32, #tpu.memory_space<vmem>>, vector<1024x1xi32>
      tpu.vector_store %arg6[%swap3A, %swap3A_41], %get3A_40 {strides = array<i32>} : memref<1024x1xi32, #tpu.memory_space<vmem>>, vector<1024x1xi32>,
      %get3A_43 = arith.constant 0 : index
      %get3A_44 = arith.constant 0 : index
      %get3A_45 = vector.load %arg8[%get3A_43, %get3A_44] : memref<1024x1xf32, #tpu.memory_space<vmem>>, vector<1024x1xf32>
      %reduce_sum3A = vector.shape_cast %get3A_45 : vector<1024x1xf32> to vector<1x1024x1xf32>
      %reduce_sum3A_46 = arith.constant dense<0.000000e+00> : vector<1xf32>
      %reduce_sum3A_47 = vector.multi_reduction <add>, %reduce_sum3A, %reduce_sum3A_46 [1, 2] : vector<1x1024x1xf32> to vector<1xf32>
      %reduce_sum3A_48 = vector.shape_cast %reduce_sum3A_47 : vector<1xf32> to vector<1x1x1xf32>
      %reduce_sum3A_49 = vector.extract %reduce_sum3A_48[0, 0, 0] : f32 from vector<1x1x1xf32>
      %reshape3A = vector.broadcast %reduce_sum3A_49 : f32 to vector<1x1xf32>
      %eq3A_50 = arith.constant 0 : i32
      %eq3A_51 = arith.cmpi eq, %arg0, %eq3A_50 : i32
      %convert_element_type3A_52 = arith.extui %eq3A_51 : i1 to i32
      %cond3A_53 = arith.constant 0 : i32
      %cond3A_54 = arith.cmpi ne, %convert_element_type3A_52, %cond3A_53 : i32
      scf.if %cond3A_54 {
        %swap3A_60 = arith.constant 0 : index
        %swap3A_61 = arith.constant 0 : index
        %swap3A_62 = vector.load %arg7[%swap3A_60, %swap3A_61] : memref<1x1xf32, #tpu.memory_space<vmem>>, vector<1x1xf32>
        tpu.vector_store %arg7[%swap3A_60, %swap3A_61], %reshape3A {strides = array<i32>} : memref<1x1xf32, #tpu.memory_space<vmem>>, vector<1x1xf32>,
      } else {
      }
      %gt3A_55 = arith.constant 0 : i32
      %gt3A_56 = arith.cmpi sgt, %arg0, %gt3A_55 : i32
      %convert_element_type3A_57 = arith.extui %gt3A_56 : i1 to i32
      %cond3A_58 = arith.constant 0 : i32
      %cond3A_59 = arith.cmpi ne, %convert_element_type3A_57, %cond3A_58 : i32
      scf.if %cond3A_59 {
        %get3A_60 = arith.constant 0 : index
        %get3A_61 = arith.constant 0 : index
        %get3A_62 = vector.load %arg7[%get3A_60, %get3A_61] : memref<1x1xf32, #tpu.memory_space<vmem>>, vector<1x1xf32>
        %add3A_63 = arith.addf %get3A_62, %reshape3A : vector<1x1xf32>
        %swap3A_64 = arith.constant 0 : index
        %swap3A_65 = arith.constant 0 : index
        %swap3A_66 = vector.load %arg7[%swap3A_64, %swap3A_65] : memref<1x1xf32, #tpu.memory_space<vmem>>, vector<1x1xf32>
        tpu.vector_store %arg7[%swap3A_64, %swap3A_65], %add3A_63 {strides = array<i32>} : memref<1x1xf32, #tpu.memory_space<vmem>>, vector<1x1xf32>,
      } else {
      }
    } else {
    }
    return
  }
  func.func @transform_0(%arg0: i32, %arg1: i32) -> (i32, i32) {
    %c0_i32 = arith.constant 0 : i32
    %c0_i32_0 = arith.constant 0 : i32
    return %arg0, %c0_i32 : i32, i32
  }
  func.func @transform_1(%arg0: i32, %arg1: i32) -> (i32, i32) {
    %c0_i32 = arith.constant 0 : i32
    %c0_i32_0 = arith.constant 0 : i32
    return %c0_i32, %arg1 : i32, i32
  }
  func.func @transform_2(%arg0: i32, %arg1: i32) -> (i32, i32) {
    %c0_i32 = arith.constant 0 : i32
    %c0_i32_0 = arith.constant 0 : i32
    return %c0_i32, %arg1 : i32, i32
  }
  func.func @transform_3(%arg0: i32, %arg1: i32) -> (i32, i32) {
    %c0_i32 = arith.constant 0 : i32
    %c0_i32_0 = arith.constant 0 : i32
    return %arg0, %c0_i32 : i32, i32
  }
  func.func @transform_4(%arg0: i32, %arg1: i32) -> (i32, i32) {
    %c0_i32 = arith.constant 0 : i32
    %c0_i32_0 = arith.constant 0 : i32
    return %arg0, %c0_i32 : i32, i32
  }
  func.func @transform_5(%arg0: i32, %arg1: i32) -> (i32, i32) {
    %c0_i32 = arith.constant 0 : i32
    %c0_i32_0 = arith.constant 0 : i32
    %c0_i32_1 = arith.constant 0 : i32
    return %c0_i32, %c0_i32_0 : i32, i32
  }
}

</mosaic_0001>

<sc_bundles>
// kernel: kernel.4.cloned.1.call-start
scs
__scs_entry_jumppad:
0x0: {  	(pc) =	sbr.rel $0x88, $3  }
0x1: {  	(tag) =	ssettag $0x0;
	lr =	simm.s32 $0x1  }
0x2: {  	[smem:$0x3F81] =	sst lr;
	_ =	strace $0xD0000000  }
0x3: {  	_ = 	snop  }
0x4: {  	_ = 	snop  }
0x5: {  	_ = 	snop  }
0x6: {  	_ = 	snop  }
0x7: {  	_ = 	snop  }
__scs_overlays_trampoline_lowered:
0x8: {  	[smem:$0x3F90] =	sst s0  }
0x9: {  	[smem:$0x3F91] =	sst s1  }
0xa: {  	[smem:$0x3F92] =	sst s2  }
0xb: {  	[smem:$0x3F93] =	sst s3  }
0xc: {  	[smem:$0x3F94] =	sst s4  }
0xd: {  	[smem:$0x3F95] =	sst s5  }
0xe: {  	[smem:$0x3F96] =	sst s6  }
0xf: {  	[smem:$0x3F97] =	sst s7  }
0x10: {  	[smem:$0x3F98] =	sst s8  }
0x11: {  	[smem:$0x3F99] =	sst s9;
	s0 =	simm.s32 @!p0 $0x0  }
0x12: {  	s1 =	sld [smem:$0x3F7F];
	s0 =	simm.s32 @p0 $0x1  }
0x13: {  	[smem:$0x3F9A] =	sst s0;
	s0 =	simm.s32 @!p1 $0x0  }
0x14: {  	s2 =	sld [smem:$0x3F7E];
	s0 =	simm.s32 @p1 $0x1  }
0x15: {  	[smem:$0x3F9B] =	sst s0;
	s0 =	simm.s32 @!p2 $0x0  }
0x16: {  	s3 =	sld [smem:$0x3FDB];
	s0 =	simm.s32 @p2 $0x1  }
0x17: {  	s4 =	simm.s32 $0x1BF5;
	[smem:$0x3F9D] =	sst s0  }
0x18: {  	s0 =	sld [smem:$0x3F80];
	_ =	swait.ge [sflag:s4], $0x0  }
0x19: {  	s7 =	sld [smem:$0x3F81]  }
0x1a: {  	s8 =	sadd.s32 $0xFFFFE003, lr  }
0x1b: {  	s9 =	sadd.s32 $0xFFFFFEF7, lr;
	s5 =	simm.s32 $0xFFFFFFFF;
	p2 =	slt.u32 s8, $0xFFFFF086  }
0x1c: {  	p1 =	slt.u32 s9, $0xF7A;
	s5 =	simm.s32 @!p2 $0x0  }
0x1d: {  	s5 =	simm.s32 @p1 $0x1;
	p0 =	seq.s32 s7, s2  }
0x1e: {  	s7 =	smul.u32 @!p0 $0xF7A, s2;
	p2 =	seq.s32 @!p0 s5, $0x0  }
0x1f: {  	s9 =	smul.u32 $0xF7A, s1;
	s8 =	simm.s32 @!p0 $0x1BF5;
	p2 =	por !p2, p0  }
0x20: {  	[sflag:s8] =	ssyncset.s32 @!p0 $0xFFFFF086;
	s6 =	sadd.s32 @!p0 s3, s7;
	s7 =	simm.s32 @!p0 $0x108  }
0x21: {  	s3 =	sadd.s32 s3, s9;
	s6 =	sadd.s32 @!p0 $0x88, s6;
	s7 =	simm.s32 @p2 $0x1082  }
0x22: {  	[simem:s7], [sflag:s8] =	dma.local @!p0 [hbm:s6], $0xF7A  }
0x23: {  	s9 =	sor.u32 $0xD0000000, s2;
	s6 =	simm.s32 $0x108;
	_ =	swait.ge @!p0 [sflag:s8], $0x0  }
0x24: {  	s3 =	sadd.s32 $0x88, s3;
	s6 =	simm.s32 @!p1 $0x1082;
	[sflag:s4] =	ssyncset.s32 $0xFFFFF086  }
0x25: {  	[simem:s6], [sflag:s4] =	dma.local [hbm:s3], $0xF7A  }
0x26: {  	[smem:$0x3F81] =	sst s1;
	(tag) =	ssettag s2;
	_ =	strace s9  }
0x27: {  	s1 =	sld [smem:$0x3F91]  }
0x28: {  	s2 =	sld [smem:$0x3F92]  }
0x29: {  	s4 =	sld [smem:$0x3F94]  }
0x2a: {  	p0 =	seq.s32 s5, $0x0;
	s5 =	sld [smem:$0x3F95]  }
0x2b: {  	s6 =	sld [smem:$0x3F96]  }
0x2c: {  	s7 =	sld [smem:$0x3F97]  }
0x2d: {  	s3 =	simm.s32 $0x108;
	s8 =	sld [smem:$0x3F98]  }
0x2e: {  	s3 =	simm.s32 @!p0 $0x1082;
	s9 =	sld [smem:$0x3F99]  }
0x2f: {  	lr =	sadd.s32 s0, s3;
	s0 =	sld [smem:$0x3F90]  }
0x30: {  	s3 =	sld [smem:$0x3F93]  }
0x31: {  	[smem:$0x3F9C] =	sst s10  }
0x32: {  	s10 =	sld [smem:$0x3F9A];
	_ =	sdelay $0x3  }
0x33: {  	p0 =	seq.s32 s10, $0x1;
	s10 =	sld [smem:$0x3F9C];
	_ =	sdelay $0x3  }
0x34: {  	[smem:$0x3F9C] =	sst s10  }
0x35: {  	s10 =	sld [smem:$0x3F9B];
	_ =	sdelay $0x3  }
0x36: {  	p1 =	seq.s32 s10, $0x1;
	s10 =	sld [smem:$0x3F9C];
	_ =	sdelay $0x3  }
0x37: {  	[smem:$0x3F9C] =	sst s10  }
0x38: {  	s10 =	sld [smem:$0x3F9D]  }
0x39: {  	_ = 	snop;
	(pc) =	sbr.ind lr, $3  }
0x3a: {  	_ = 	snop  }
0x3b: {  	_ = 	snop  }
0x3c: {  	p2 =	seq.s32 s10, $0x1;
	s10 =	sld [smem:$0x3F9C]  }
0x3d: {  	_ =	shalt  }
0x3e: {  	_ =	shalt  }
0x3f: {  	_ =	shalt  }
0x40: {  	_ =	shalt  }
0x41: {  	_ =	shalt  }
0x42: {  	_ =	shalt  }
0x43: {  	_ =	shalt  }
0x44: {  	_ =	shalt  }
0x45: {  	_ =	shalt  }
0x46: {  	_ =	shalt  }
0x47: {  	_ =	shalt  }
0x48: {  	_ =	shalt  }
0x49: {  	_ =	shalt  }
0x4a: {  	_ =	shalt  }
0x4b: {  	_ =	shalt  }
0x4c: {  	_ =	shalt  }
0x4d: {  	_ =	shalt  }
0x4e: {  	_ =	shalt  }
0x4f: {  	_ =	shalt  }
0x50: {  	_ =	shalt  }
0x51: {  	_ =	shalt  }
0x52: {  	_ =	shalt  }
0x53: {  	_ =	shalt  }
0x54: {  	_ =	shalt  }
0x55: {  	_ =	shalt  }
0x56: {  	_ =	shalt  }
0x57: {  	_ =	shalt  }
0x58: {  	_ =	shalt  }
0x59: {  	_ =	shalt  }
0x5a: {  	_ =	shalt  }
0x5b: {  	_ =	shalt  }
0x5c: {  	_ =	shalt  }
0x5d: {  	_ =	shalt  }
0x5e: {  	_ =	shalt  }
0x5f: {  	_ =	shalt  }
0x60: {  	_ =	shalt  }
0x61: {  	_ =	shalt  }
0x62: {  	_ =	shalt  }
0x63: {  	_ =	shalt  }
0x64: {  	_ =	shalt  }
0x65: {  	_ =	shalt  }
0x66: {  	_ =	shalt  }
0x67: {  	_ =	shalt  }
0x68: {  	_ =	shalt  }
0x69: {  	_ =	shalt  }
0x6a: {  	_ =	shalt  }
0x6b: {  	_ =	shalt  }
0x6c: {  	_ =	shalt  }
0x6d: {  	_ =	shalt  }
0x6e: {  	_ =	shalt  }
0x6f: {  	_ =	shalt  }
0x70: {  	_ =	shalt  }
0x71: {  	_ =	shalt  }
0x72: {  	_ =	shalt  }
0x73: {  	_ =	shalt  }
0x74: {  	_ =	shalt  }
0x75: {  	_ =	shalt  }
0x76: {  	_ =	shalt  }
0x77: {  	_ =	shalt  }
0x78: {  	_ =	shalt  }
0x79: {  	_ =	shalt  }
0x7a: {  	_ =	shalt  }
0x7b: {  	_ =	shalt  }
0x7c: {  	_ =	shalt  }
0x7d: {  	_ =	shalt  }
0x7e: {  	_ =	shalt  }
0x7f: {  	_ =	shalt  }
0x80: {  	_ =	shalt  }
0x81: {  	_ =	shalt  }
0x82: {  	_ =	shalt  }
0x83: {  	_ =	shalt  }
0x84: {  	_ =	shalt  }
0x85: {  	_ =	shalt  }
0x86: {  	_ =	shalt  }
0x87: {  	_ =	shalt  }
.Lfunc_end0:
.L_simem_size_0:
called_computation_lowered:
.L_overlay_start_0:
0x88: {  	s2 =	sld [smem:$0x3FD9]  }
0x89: {  	s3 =	sld [smem:$0x3FFE];
	_ =	sdelay $0x1  }
0x8a: {  	s1 =	srdreg.scid  }
0x8b: {  	s0 =	sand.u32 $0x1, s1  }
0x8c: {  	s14 =	sshll.u32 s0, $0xA;
	s2 =	sadd.s32 s3, s2  }
0x8d: {  	s2 =	sadd.s32 s2, s14  }
0x8e: {  	[smem:$0x3FA8] =	sst s2  }
0x8f: {  	_ = 	snop  }
0x90: {  	s2 =	sld [smem:$0x3FD0];
	_ =	sdelay $0x2  }
0x91: {  	s15 =	simm.s32 $0xA;
	s4 =	simm.s32 $0x10  }
0x92: {  	[smem:s4], [sflag:s15] =	dma.local [hbm:s2], $0x1  }
0x93: {  	_ =	swait.eq [sflag:s15], $0x1  }
0x94: {  	[sflag:s15] =	ssyncset.done $0x0  }
0x95: {  	[sflag:s15] =	ssyncadd.s32 $0xFFFFFFFF  }
0x96: {  	s16 =	sld [smem:$0x11];
	(tm) =	ssettm $0x1  }
0x97: {  	s17 =	sld [smem:$0x3FFB];
	_ =	sdelay $0x3  }
0x98: {  	_ =	strace s17  }
0x99: {  	s3 =	sld [smem:$0x3FFC];
	_ =	sdelay $0x3  }
0x9a: {  	_ =	strace s3  }
0x9b: {  	s3 =	sld [smem:$0x3FFD];
	_ =	sdelay $0x3  }
0x9c: {  	_ =	strace s3  }
0x9d: {  	_ =	strace $0x8FFFFFFF  }
0x9e: {  	s18 =	sld [smem:$0x3FDB];
	_ =	sdelay $0x1  }
0x9f: {  	s19 =	simm.s32 $_scs_section_size  }
0xa0: {  	s5 =	simm.s32 $_size__tile_overlayer_lowered;
	s6 =	simm.s32 $_tile_overlayer_lowered  }
0xa1: {  	s22 =	simm.s32 $0x1BFF;
	s21 =	sshll.u32 s6, $0x1;
	s3 =	sadd.s32 s19, s18  }
0xa2: {  	s7 =	simm.s32 $0x0;
	s20 =	sshll.u32 s5, $0x1;
	s5 =	sadd.s32 s21, s3  }
0xa3: {  	[timem:s7], [sflag:s22] =	dma.local [hbm:s5], s20  }
0xa4: {  	_ =	swait.ge [sflag:s22], s20  }
0xa5: {  	s4 =	ssub.s32 $0x0, s20;
	[sflag:s22] =	ssyncset.done $0x0  }
0xa6: {  	[sflag:s22] =	ssyncadd.s32 s4;
	_ =	sdelay $0x1  }
0xa7: {  	s23 =	simm.s32 $0x1B8B  }
0xa8: {  	_ =	swait.ge [sflag:s23], $0x1  }
0xa9: {  	[sflag:s23] =	ssyncset.done $0x0  }
0xaa: {  	s25 =	simm.s32 $0x1B8E;
	s24 =	sld [smem:$0x3FFE];
	[sflag:s23] =	ssyncadd.s32 $0xFFFFFFFF  }
0xab: {  	s26 =	simm.s32 $execute0_lowered;
	[smem:$0x3FD2] =	sst s25  }
0xac: {  	s5 =	sshll.u32 s26, $0x1;
	_ =	strace $0x80000046;
	[dreg:$0x1] =	wrdreg $0xFFFFFFFF  }
0xad: {  	s28 =	simm.s32 $_size_execute0_lowered;
	s3 =	sadd.s32 s3, s5;
	[dreg:$0x0] =	wrdreg $0x0  }
0xae: {  	s5 =	sshll.u32 s28, $0x1;
	[dreg:$0x2] =	wrdreg s3  }
0xaf: {  	[dreg:$0x3] =	wrdreg s5  }
0xb0: {  	[dreg:$0x4] =	wrdreg $0xC0  }
0xb1: {  	_ =	task [dreg:s7], $0x5FFFF  }
0xb2: {  	[dreg:$0x1] =	wrdreg $0xFFFFFFFF  }
0xb3: {  	[dreg:$0x0] =	wrdreg $0x60  }
0xb4: {  	[dreg:$0x2] =	wrdreg s24  }
0xb5: {  	[dreg:$0x3] =	wrdreg s16  }
0xb6: {  	[dreg:$0x4] =	wrdreg $0x41800  }
0xb7: {  	[dreg:$0x5] =	wrdreg $0x9  }
0xb8: {  	_ =	task.clear_ibuf [dreg:s7], $0x6FFFF;
	_ =	strace $0x90000046  }
0xb9: {  	s29 =	simm.s32 $0x9;
	_ =	strace $0x80000048  }
0xba: {  	_ =	swait.ge [sflag:s29], $0x1  }
0xbb: {  	[sflag:s29] =	ssyncadd.s32 $0xFFFFFFFF  }
0xbc: {  	_ =	strace $0x90000048  }
0xbd: {  	_ =	sfence  }
0xbe: {  	s30 =	sld [smem:$0x0];
	_ =	sdelay $0x2  }
0xbf: {  	s31 =	sshll.u32 s1, $0xD;
	s1 =	sshrl.u32 s1, $0x2  }
0xc0: {  	s3 =	sand.u32 $0x4000, s31;
	s1 =	sadd.s32 s1, s30  }
0xc1: {  	s0 =	sor.u32 s3, s0;
	s1 =	sshll.u32 s1, $0x11  }
0xc2: {  	s0 =	sor.u32 s1, s0  }
0xc3: {  	s0 =	sadd.s32 $0x8F2B, s0  }
0xc4: {  	[sflag:s0] =	ssyncadd.remote.s32 $0x1  }
0xc5: {  	_ =	sfence.sel $0xFFFF  }
0xc6: {  	[dreg:$0x0] =	wrdreg $0xFFFFFFFF;
	(pc) =	sbr.abs _section_cstart, $3  }
0xc7: {  	[dreg:$0x1] =	wrdreg $0xFFFFFFFF  }
0xc8: {  	_ =	task.clear_ibuf [dreg:s7], $0x2FFFF;
	_ =	strace $0x9FFFFFFF  }
0xc9: {  	(tm) =	ssettm $0x7FFFFFFF  }
tec
execute0_lowered:
.L_overlay_start_1:
0x0: {  	(tag) =	ssettag $0x1  }
0x1: {  	s17 =	rddreg [dreg:$0x0]  }
0x2: {  	s16 =	rddreg [dreg:$0x1]  }
0x3: {  	s2 =	rddreg [dreg:$0x2]  }
0x4: {  	s0 =	rddreg [dreg:$0x3];
	s7 =	simm.s32 $0x0;
	s1 =	stileid.u32  }
0x5: {  	[smem:$0x7FF] =	sst s7;
	s19 =	sshll.u32 s1, $0xD;
	s9 =	sadd.s32 $0x24E00, s17  }
0x6: {  	s4 =	sshll.u32 s1, $0x6;
	_ =	strace $0x80000047;
	s3 =	sadd.s32 s19, s2  }
0x7: {  	s4 =	sor.u32 $0x1C02, s4;
	s5 =	sshrl.u32 s3, $0x3;
	s3 =	simm.s32 $0x2  }
0x8: {  	[spmem:s5], [sflag:s4] =	dma.local [hbm:s9], $0x400  }
0x9: {  	s6 =	srdreg.scid;
	_ =	swait.ge [sflag:s3], $0x400  }
0xa: {  	s11 =	sadd.s32 $0x24C00, s17;
	s20 =	sand.u32 $0x1, s6;
	[sflag:s3] =	ssyncset.done $0x0  }
0xb: {  	s8 =	sshll.u32 s1, $0x1;
	s6 =	simm.s32 $0x4100;
	[sflag:s3] =	ssyncadd.s32 $0xFFFFFC00  }
0xc: {  	[tilespmem:s6], [sflag:$0x2] =	stream.linear.gather [hbm4b:s11+s7], $0x80, $0x38;
	[tilespmem:$0x6180] =	vst v63  }
0xd: {  	s18 =	sor.u32 s20, s8;
	_ =	swait.ge [sflag:s3], $0x80  }
0xe: {  	s8 =	sshll.u32 s18, $0x5;
	[sflag:s3] =	ssyncset.done $0x0  }
0xf: {  	s12 =	sadd.s32 s16, s8;
	[sflag:s3] =	ssyncadd.s32 $0xFFFFFF80  }
0x10: {  	[tilespmem:s7], [sflag:$0x2] =	stream.linear.gather [hbm4b:s12+s7], $0x80, $0x38;
	[tilespmem:$0x6180] =	vst v63  }
0x11: {  	_ =	swait.ge [sflag:s3], $0x80  }
0x12: {  	s14 =	simm.s32 $0x100;
	s10 =	simm.s32 $0x1;
	[sflag:s3] =	ssyncset.done $0x0  }
0x13: {  	s13 =	sadd.s32 $0x4C00, s17;
	s8 =	simm.s32 $0x80;
	[sflag:s3] =	ssyncadd.s32 $0xFFFFFF80  }
0x14: {  	[tilespmem:s14], [sflag:$0x1] =	stream.indirect.gather [hbm4b:s13+s8], $0x80, s7, s8, $0xb8;
	[tilespmem:$0x6180] =	vst v63  }
0x15: {  	_ =	swait.ge [sflag:s10], $0x4000  }
0x16: {  	s21 =	sadd.s32 $0x25200, s17;
	s15 =	sshll.u32 s18, $0xC;
	[sflag:s10] =	ssyncset.done $0x0  }
0x17: {  	s15 =	sadd.s32 s21, s15;
	[sflag:s10] =	ssyncadd.s32 $0xFFFFC000  }
0x18: {  	[hbm4b:s15+s7] =	stream.linear.scatter [tilespmem:s14], [sflag:$0x2], $0x4000, $0x38;
	[tilespmem:$0x6180] =	vst v63  }
0x19: {  	_ =	swait.ge [sflag:s3], $0x4000  }
0x1a: {  	[sflag:s3] =	ssyncset.done $0x0  }
0x1b: {  	[sflag:s3] =	ssyncadd.s32 $0xFFFFC000  }
0x1c: {  	v1 =	vld [tilespmem:$0x10]  }
0x1d: {  	v2 =	vld [tilespmem:$0x0]  }
0x1e: {  	v3 =	vld [tilespmem:$0x40]  }
0x1f: {  	v4 =	vld [tilespmem:$0x20]  }
0x20: {  	v0 =	vmov s19;
	v5 =	vld [tilespmem:$0x60]  }
0x21: {  	v6 =	vld [tilespmem:$0x70];
	v1 =	vadd.s32 v0, v1  }
0x22: {  	v7 =	vld [tilespmem:$0x50];
	v2 =	vadd.s32 v0, v2;
	[tilespmem:$0x90] =	vst v1  }
0x23: {  	v1 =	vld [tilespmem:$0x30];
	[tilespmem:$0x80] =	vst v2;
	v2 =	vadd.s32 v0, v3  }
0x24: {  	v3 =	vadd.s32 v0, v4;
	[tilespmem:$0xC0] =	vst v2  }
0x25: {  	[tilespmem:$0xA0] =	vst v3;
	v2 =	vadd.s32 v0, v5  }
0x26: {  	[tilespmem:$0xE0] =	vst v2;
	v2 =	vadd.s32 v0, v6  }
0x27: {  	[tilespmem:$0xF0] =	vst v2;
	v2 =	vadd.s32 v0, v7  }
0x28: {  	[tilespmem:$0xD0] =	vst v2;
	v1 =	vadd.s32 v0, v1  }
0x29: {  	s29 =	sshll.u32 s18, $0x8;
	[tilespmem:$0xB0] =	vst v1  }
0x2a: {  	[spmem:s2] =	stream.indirect.scatter.add.f32 [tilespmem:s6], [sflag:$0x2], $0x1, s8, s8, $0xb8;
	[tilespmem:$0x6180] =	vst v63  }
0x2b: {  	s19 =	sor.u32 $0x80, s29;
	_ =	swait.ge [sflag:s3], $0x80  }
0x2c: {  	s22 =	sshrl.u32 s19, $0x3;
	[sflag:s3] =	ssyncset.done $0x0  }
0x2d: {  	s16 =	sadd.s32 s16, s22;
	[sflag:s3] =	ssyncadd.s32 $0xFFFFFF80  }
0x2e: {  	[tilespmem:s7], [sflag:$0x2] =	stream.linear.gather [hbm4b:s16+s7], $0x80, $0x38;
	[tilespmem:$0x6180] =	vst v63  }
0x2f: {  	_ =	swait.ge [sflag:s3], $0x80  }
0x30: {  	[sflag:s3] =	ssyncset.done $0x0  }
0x31: {  	[sflag:s3] =	ssyncadd.s32 $0xFFFFFF80  }
0x32: {  	[tilespmem:s14], [sflag:$0x1] =	stream.indirect.gather [hbm4b:s13+s8], $0x80, s7, s8, $0xb8;
	[tilespmem:$0x6180] =	vst v63  }
0x33: {  	s20 =	ssub.s32 $0x2, s20;
	_ =	swait.ge [sflag:s10], $0x4000  }
0x34: {  	s31 =	sshrl.u32 s20, $0x1;
	s19 =	sshll.u32 s19, $0x4;
	[sflag:s10] =	ssyncset.done $0x0  }
0x35: {  	s20 =	ssub.s32 s20, s31;
	s19 =	sadd.s32 s21, s19;
	[sflag:s10] =	ssyncadd.s32 $0xFFFFC000  }
0x36: {  	[hbm4b:s19+s7] =	stream.linear.scatter [tilespmem:s14], [sflag:$0x2], $0x4000, $0x38;
	[tilespmem:$0x6180] =	vst v63  }
0x37: {  	s20 =	smax.u32 s20, $0x1;
	_ =	swait.ge [sflag:s3], $0x4000  }
0x38: {  	p0 =	sne.s32 s20, $0x1;
	[sflag:s3] =	ssyncset.done $0x0  }
.Ltmp0:
0x39: {  	s30 =	sshll.u32 s1, $0xB;
	[sflag:s3] =	ssyncadd.s32 $0xFFFFC000;
	(pc) =	sbr.rel @!p0 .LBB2_2-.Ltmp0, $4  }
0x3a: {  	s18 =	sshll.u32 s18, $0x4;
	s21 =	sand.u32 $0x6000, s30;
	v2 =	vld [tilespmem:$0x40]  }
0x3b: {  	s18 =	sand.u32 $0x70, s18;
	s17 =	sadd.s32 s21, s17;
	v1 =	vld [tilespmem:$0x60]  }
0x3c: {  	s17 =	sadd.s32 s18, s17;
	v4 =	vld [tilespmem:$0x50]  }
0x3d: {  	s20 =	sadd.s32 $0xFFFFFFFF, s20;
	s18 =	simm.s32 $0x10;
	s17 =	sadd.s32 $0x45200, s17;
	v3 =	vld [tilespmem:$0x30]  }
.LBB2_1:
0x3e: {  	p0 =	sne.s32 s20, $0x1;
	s20 =	sadd.s32 $0xFFFFFFFF, s20;
	v5 =	vld [tilespmem:$0x10]  }
0x3f: {  	v6 =	vld [tilespmem:$0x0];
	v2 =	vadd.s32 v0, v2  }
0x40: {  	v7 =	vld [tilespmem:$0x20];
	[tilespmem:$0xC0] =	vst v2;
	v1 =	vadd.s32 v0, v1  }
0x41: {  	v2 =	vadd.s32 v0, v4;
	[tilespmem:$0xE0] =	vst v1;
	v1 =	vld [tilespmem:$0x70]  }
0x42: {  	v3 =	vadd.s32 v0, v3;
	[tilespmem:$0xD0] =	vst v2  }
0x43: {  	v2 =	vadd.s32 v0, v5;
	[tilespmem:$0xB0] =	vst v3  }
0x44: {  	v3 =	vadd.s32 v0, v6;
	[tilespmem:$0x90] =	vst v2  }
0x45: {  	[tilespmem:$0x80] =	vst v3;
	v2 =	vadd.s32 v0, v7  }
0x46: {  	[tilespmem:$0xA0] =	vst v2;
	v1 =	vadd.s32 v0, v1  }
0x47: {  	[tilespmem:$0xF0] =	vst v1  }
0x48: {  	[spmem:s2] =	stream.indirect.scatter.add.f32 [tilespmem:s6], [sflag:$0x2], $0x1, s8, s8, $0xb8;
	[tilespmem:$0x6180] =	vst v63  }
0x49: {  	_ =	swait.ge [sflag:s3], $0x80  }
0x4a: {  	[sflag:s3] =	ssyncset.done $0x0  }
0x4b: {  	[sflag:s3] =	ssyncadd.s32 $0xFFFFFF80  }
0x4c: {  	[hbm:s17@s8], [sflag:s4] =	dma.strided [spmem:s5@s18], $0x400, s10, $0x10   }
0x4d: {  	_ =	swait.ge [sflag:s3], $0x400  }
0x4e: {  	[sflag:s3] =	ssyncset.done $0x0  }
0x4f: {  	[sflag:s3] =	ssyncadd.s32 $0xFFFFFC00;
	_ =	sdelay $0x1  }
0x50: {  	[spmem:s5], [sflag:s4] =	dma.local [hbm:s9], $0x400  }
0x51: {  	_ =	swait.ge [sflag:s3], $0x400  }
0x52: {  	[sflag:s3] =	ssyncset.done $0x0  }
0x53: {  	[sflag:s3] =	ssyncadd.s32 $0xFFFFFC00  }
0x54: {  	[tilespmem:s6], [sflag:$0x2] =	stream.linear.gather [hbm4b:s11+s7], $0x80, $0x38;
	[tilespmem:$0x6180] =	vst v63  }
0x55: {  	_ =	swait.ge [sflag:s3], $0x80  }
0x56: {  	[sflag:s3] =	ssyncset.done $0x0  }
0x57: {  	[sflag:s3] =	ssyncadd.s32 $0xFFFFFF80  }
0x58: {  	[tilespmem:s7], [sflag:$0x2] =	stream.linear.gather [hbm4b:s12+s7], $0x80, $0x38;
	[tilespmem:$0x6180] =	vst v63  }
0x59: {  	_ =	swait.ge [sflag:s3], $0x80  }
0x5a: {  	[sflag:s3] =	ssyncset.done $0x0  }
0x5b: {  	[sflag:s3] =	ssyncadd.s32 $0xFFFFFF80  }
0x5c: {  	[tilespmem:s14], [sflag:$0x1] =	stream.indirect.gather [hbm4b:s13+s8], $0x80, s7, s8, $0xb8;
	[tilespmem:$0x6180] =	vst v63  }
0x5d: {  	_ =	swait.ge [sflag:s10], $0x4000  }
0x5e: {  	[sflag:s10] =	ssyncset.done $0x0  }
0x5f: {  	[sflag:s10] =	ssyncadd.s32 $0xFFFFC000  }
0x60: {  	[hbm4b:s15+s7] =	stream.linear.scatter [tilespmem:s14], [sflag:$0x2], $0x4000, $0x38;
	[tilespmem:$0x6180] =	vst v63  }
0x61: {  	_ =	swait.ge [sflag:s3], $0x4000  }
0x62: {  	[sflag:s3] =	ssyncset.done $0x0  }
0x63: {  	[sflag:s3] =	ssyncadd.s32 $0xFFFFC000  }
0x64: {  	v1 =	vld [tilespmem:$0x20]  }
0x65: {  	v2 =	vld [tilespmem:$0x10]  }
0x66: {  	v3 =	vld [tilespmem:$0x0]  }
0x67: {  	v4 =	vld [tilespmem:$0x40]  }
0x68: {  	v5 =	vld [tilespmem:$0x50]  }
0x69: {  	v6 =	vld [tilespmem:$0x60]  }
0x6a: {  	v2 =	vadd.s32 v0, v2;
	v7 =	vld [tilespmem:$0x70]  }
0x6b: {  	v3 =	vadd.s32 v0, v3;
	[tilespmem:$0x90] =	vst v2;
	v2 =	vld [tilespmem:$0x30]  }
0x6c: {  	v1 =	vadd.s32 v0, v1;
	[tilespmem:$0x80] =	vst v3;
	v3 =	vadd.s32 v0, v4  }
0x6d: {  	[tilespmem:$0xC0] =	vst v3;
	v3 =	vadd.s32 v0, v5  }
0x6e: {  	[tilespmem:$0xA0] =	vst v1;
	v1 =	vadd.s32 v0, v6  }
0x6f: {  	[tilespmem:$0xE0] =	vst v1;
	v1 =	vadd.s32 v0, v7  }
0x70: {  	v2 =	vadd.s32 v0, v2;
	[tilespmem:$0xF0] =	vst v1  }
0x71: {  	[tilespmem:$0xB0] =	vst v2  }
0x72: {  	[tilespmem:$0xD0] =	vst v3  }
0x73: {  	[spmem:s2] =	stream.indirect.scatter.add.f32 [tilespmem:s6], [sflag:$0x2], $0x1, s8, s8, $0xb8;
	[tilespmem:$0x6180] =	vst v63  }
0x74: {  	_ =	swait.ge [sflag:s3], $0x80  }
0x75: {  	[sflag:s3] =	ssyncset.done $0x0  }
0x76: {  	[sflag:s3] =	ssyncadd.s32 $0xFFFFFF80  }
0x77: {  	[tilespmem:s7], [sflag:$0x2] =	stream.linear.gather [hbm4b:s16+s7], $0x80, $0x38;
	[tilespmem:$0x6180] =	vst v63  }
0x78: {  	_ =	swait.ge [sflag:s3], $0x80  }
0x79: {  	[sflag:s3] =	ssyncset.done $0x0  }
0x7a: {  	[sflag:s3] =	ssyncadd.s32 $0xFFFFFF80  }
0x7b: {  	[tilespmem:s14], [sflag:$0x1] =	stream.indirect.gather [hbm4b:s13+s8], $0x80, s7, s8, $0xb8;
	[tilespmem:$0x6180] =	vst v63  }
0x7c: {  	_ =	swait.ge [sflag:s10], $0x4000  }
0x7d: {  	[sflag:s10] =	ssyncset.done $0x0  }
0x7e: {  	[sflag:s10] =	ssyncadd.s32 $0xFFFFC000  }
0x7f: {  	[hbm4b:s19+s7] =	stream.linear.scatter [tilespmem:s14], [sflag:$0x2], $0x4000, $0x38;
	[tilespmem:$0x6180] =	vst v63  }
0x80: {  	_ =	swait.ge [sflag:s3], $0x4000  }
0x81: {  	[sflag:s3] =	ssyncset.done $0x0  }
.Ltmp1:
0x82: {  	[sflag:s3] =	ssyncadd.s32 $0xFFFFC000;
	(pc) =	sbr.rel @p0 .LBB2_1-.Ltmp1, $4  }
0x83: {  	v2 =	vld [tilespmem:$0x40]  }
0x84: {  	v1 =	vld [tilespmem:$0x60]  }
0x85: {  	v4 =	vld [tilespmem:$0x50]  }
0x86: {  	v3 =	vld [tilespmem:$0x30]  }
.LBB2_2:
0x87: {  	v5 =	vld [tilespmem:$0x10]  }
0x88: {  	v6 =	vld [tilespmem:$0x0];
	v2 =	vadd.s32 v0, v2  }
0x89: {  	v7 =	vld [tilespmem:$0x20];
	[tilespmem:$0xC0] =	vst v2;
	v1 =	vadd.s32 v0, v1  }
0x8a: {  	v59 =	vld [tilespmem:$0x70];
	v58 =	vadd.s32 v0, v4;
	[tilespmem:$0xE0] =	vst v1  }
0x8b: {  	v3 =	vadd.s32 v0, v3;
	[tilespmem:$0xD0] =	vst v58  }
0x8c: {  	v60 =	vadd.s32 v0, v5;
	[tilespmem:$0xB0] =	vst v3  }
0x8d: {  	v61 =	vadd.s32 v0, v6;
	[tilespmem:$0x90] =	vst v60  }
0x8e: {  	v62 =	vadd.s32 v0, v7;
	[tilespmem:$0x80] =	vst v61  }
0x8f: {  	v63 =	vadd.s32 v0, v59;
	[tilespmem:$0xA0] =	vst v62  }
0x90: {  	[tilespmem:$0xF0] =	vst v63  }
0x91: {  	[spmem:s2] =	stream.indirect.scatter.add.f32 [tilespmem:s6], [sflag:$0x2], $0x1, s8, s8, $0xb8;
	[tilespmem:$0x6180] =	vst v63  }
0x92: {  	_ =	swait.ge [sflag:s3], $0x80  }
0x93: {  	[sflag:s3] =	ssyncset.done $0x0  }
0x94: {  	[sflag:s3] =	ssyncadd.s32 $0xFFFFFF80  }
0x95: {  	[hbm:s17@s8], [sflag:s4] =	dma.strided [spmem:s5@s18], $0x400, s10, $0x10   }
0x96: {  	_ =	swait.ge [sflag:s3], $0x400  }
0x97: {  	[sflag:s3] =	ssyncset.done $0x0  }
0x98: {  	[sflag:s3] =	ssyncadd.s32 $0xFFFFFC00  }
0x99: {  	_ =	sfence.sel $0x180000  }
0x9a: {  	[bflag:$0x0] =	sbarrier.arrive $0xFFFF  }
0x9b: {  	p0 =	sne.s32 s1, $0x0;
	_ =	strace $0x90000047  }
0x9c: {  	s0 =	sadd.s32 @!p0 $0x100000, s0;
	[bflag:$0x2] =	sbarrier.arrive $0xFFFF  }
0x9d: {  	[sflag:s0] =	ssyncadd.tile.s32 @!p0 $0x1;
	_ =	shalt  }
.Lfunc_end2:
_tile_overlayer_lowered:
.L_overlay_start_2:
0x9e: {  	(tag) =	ssettag $0x2  }
0x9f: {  	s0 =	rddreg [dreg:$0x0];
	s2 =	stileid.u32  }
0xa0: {  	s1 =	rddreg [dreg:$0x1];
	p0 =	sne.s32 s2, $0x0  }
0xa1: {  	s3 =	rddreg [dreg:$0x2];
	[bflag:$0x3] =	sbarrier.arrive $0xFFFF;
	s2 =	simm.s32 @!p0 $0x1C02  }
0xa2: {  	[timem:s3], [sflag:s2] =	dma.local @!p0 [hbm:s0], s1  }
0xa3: {  	s0 =	simm.s32 @!p0 $0x2  }
0xa4: {  	_ =	swait.ge @!p0 [sflag:s0], s1  }
0xa5: {  	s1 =	ssub.s32 @!p0 $0x0, s1;
	[sflag:s0] =	ssyncset.done @!p0 $0x0  }
0xa6: {  	[sflag:s0] =	ssyncadd.s32 @!p0 s1  }
0xa7: {  	[bflag:$0x3] =	sbarrier.arrive $0xFFFF  }
0xa8: {  	_ =	shalt  }

</sc_bundles>
